<compile_context>
chip_gen: v7x
topology: tpu7x:2x2x1
jax: 0.10.2.dev20260603
libtpu: 0.0.44.dev20260713+nightly
codegen_flags: <defaults>
</compile_context>

<pallas_src>
import functools

import jax
import jax.numpy as jnp
from jax import lax
from jax.experimental import pallas as pl
from jax.experimental.pallas import tpu as pltpu
from jax.experimental.pallas import tpu_sc as plsc

L = 16
NW = 32
SLOTS = 8
BIG = 1e10
SENT = 1e5
PAD = 2 * L
R_SPLIT = 3328
RB = 256



def _sc_chamfer(B, N):
    mesh = plsc.VectorSubcoreMesh(core_axis_name="c", subcore_axis_name="s")
    NP = N - R_SPLIT
    QS = N // SLOTS

    @functools.partial(
        pl.kernel,
        mesh=mesh,
        out_type=(jax.ShapeDtypeStruct((NW * L,), jnp.float32),
                  jax.ShapeDtypeStruct((B * N,), jnp.float32)),
        scratch_types=[
            pltpu.VMEM((NP,), jnp.float32),
            pltpu.VMEM((NP,), jnp.float32),
            pltpu.VMEM((NP,), jnp.float32),
            pltpu.VMEM((N,), jnp.float32),
            pltpu.VMEM((N,), jnp.float32),
            pltpu.VMEM((N,), jnp.float32),
            pltpu.VMEM((N,), jnp.int32),
            pltpu.VMEM((NP + PAD,), jnp.float32),
            pltpu.VMEM((NP + PAD,), jnp.float32),
            pltpu.VMEM((NP + PAD,), jnp.float32),
            pltpu.VMEM((N + PAD,), jnp.float32),
            pltpu.VMEM((N + PAD,), jnp.float32),
            pltpu.VMEM((N + PAD,), jnp.float32),
            pltpu.VMEM((L,), jnp.float32),
            pltpu.VMEM((QS,), jnp.float32),
        ],
        compiler_params=pltpu.CompilerParams(needs_layout_passes=False),
    )
    def cham(z_hbm, ax_hbm, ay_hbm, gx_hbm, gy_hbm, gz_hbm, m_hbm,
             out1_hbm, out2_hbm,
             z_v, ax_v, ay_v, gx_v, gy_v, gz_v, m_v,
             cpx, cpy, cpz, cgx, cgy, cgz, acc_v, minb_v):
        cid = lax.axis_index("c")
        sid = lax.axis_index("s")
        wid = sid * 2 + cid
        bat = wid // SLOTS
        slot = wid % SLOTS
        boff = bat * N

        pltpu.sync_copy(z_hbm.at[pl.ds(boff + R_SPLIT, NP)], z_v)
        pltpu.sync_copy(ax_hbm.at[pl.ds(R_SPLIT, NP)], ax_v)
        pltpu.sync_copy(ay_hbm.at[pl.ds(R_SPLIT, NP)], ay_v)
        pltpu.sync_copy(gx_hbm.at[pl.ds(boff, N)], gx_v)
        pltpu.sync_copy(gy_hbm.at[pl.ds(boff, N)], gy_v)
        pltpu.sync_copy(gz_hbm.at[pl.ds(boff, N)], gz_v)
        pltpu.sync_copy(m_hbm.at[pl.ds(boff, N)], m_v)

        def comp_g(i, n_g):
            sl = pl.ds(i * L, L)
            gxc = gx_v[sl]
            gyc = gy_v[sl]
            gzc = gz_v[sl]
            mg = (m_v[sl] > 0) & (gxc + gyc + gzc != 0.0)
            mgi = mg.astype(jnp.int32)
            gidx = n_g + (plsc.cumsum(mgi) - mgi)
            plsc.store_scatter(cgx, [gidx], gxc, mask=mg)
            plsc.store_scatter(cgy, [gidx], gyc, mask=mg)
            plsc.store_scatter(cgz, [gidx], gzc, mask=mg)
            return n_g + jnp.sum(mgi)

        def comp_p(i, n_p):
            sl = pl.ds(i * L, L)
            zc = z_v[sl]
            pxc = ax_v[sl] * zc
            pyc = ay_v[sl] * zc
            mp = (m_v[sl] > 0) & (pxc + pyc + zc != 0.0)
            mpi = mp.astype(jnp.int32)
            pidx = n_p + (plsc.cumsum(mpi) - mpi)
            plsc.store_scatter(cpx, [pidx], pxc, mask=mp)
            plsc.store_scatter(cpy, [pidx], pyc, mask=mp)
            plsc.store_scatter(cpz, [pidx], zc, mask=mp)
            return n_p + jnp.sum(mpi)

        n_g = lax.fori_loop(0, N // L, comp_g, jnp.int32(0))
        n_p = lax.fori_loop(0, NP // L, comp_p, jnp.int32(0))

        sent = jnp.full((L,), SENT, jnp.float32)
        cpx[pl.ds(n_p, L)] = sent
        cpy[pl.ds(n_p, L)] = sent
        cpz[pl.ds(n_p, L)] = sent
        cgx[pl.ds(n_g, L)] = sent
        cgy[pl.ds(n_g, L)] = sent
        cgz[pl.ds(n_g, L)] = sent

        lane = lax.iota(jnp.int32, L)

        def nn_min(qx, qy, qz, rx_r, ry_r, rz_r, nr8):
            def rloop(j, rmin):
                j8 = j * 8
                for u in range(8):
                    jv = jnp.full((L,), j8 + u, jnp.int32)
                    rx = plsc.load_gather(rx_r, [jv])
                    ry = plsc.load_gather(ry_r, [jv])
                    rz = plsc.load_gather(rz_r, [jv])
                    dx = qx - rx
                    dy = qy - ry
                    dz = qz - rz
                    d = dx * dx + dy * dy + dz * dz
                    rmin = jnp.minimum(rmin, d)
                return rmin

            return lax.fori_loop(0, nr8, rloop,
                                 jnp.full((L,), BIG, jnp.float32))

        qper = (n_p + SLOTS - 1) // SLOTS
        qlo = slot * qper
        qhi = jnp.minimum(n_p, qlo + qper)
        nblk = (jnp.maximum(0, qhi - qlo) + L - 1) // L
        ng8 = (n_g + 7) // 8

        def qblock(ib, acc):
            base = qlo + ib * L
            rmin = nn_min(cpx[pl.ds(base, L)], cpy[pl.ds(base, L)],
                          cpz[pl.ds(base, L)], cgx, cgy, cgz, ng8)
            valid = (base + lane) < qhi
            return acc + jnp.where(valid, rmin, 0.0)

        acc = lax.fori_loop(0, nblk, qblock, jnp.zeros((L,), jnp.float32))
        acc_v[...] = acc
        pltpu.sync_copy(acc_v, out1_hbm.at[pl.ds(wid * L, L)])

        np8 = (n_p + 7) // 8
        gbase = slot * QS

        def gblock(ib, _):
            off = ib * L
            sl = pl.ds(gbase + off, L)
            rmin = nn_min(gx_v[sl], gy_v[sl], gz_v[sl],
                          cpx, cpy, cpz, np8)
            minb_v[pl.ds(off, L)] = rmin
            return 0

        lax.fori_loop(0, QS // L, gblock, 0)
        pltpu.sync_copy(minb_v, out2_hbm.at[pl.ds(boff + gbase, QS)])

    return cham



def _tc_chamfer(B, N):
    NRB = R_SPLIT // RB

    def body(z_ref, ax_ref, ay_ref, mp_ref, gt_ref, mr_ref,
             out1_ref, out2_ref, colmin_s, acc_s):
        b = pl.program_id(0)
        r = pl.program_id(1)

        @pl.when((b == 0) & (r == 0))
        def _():
            acc_s[0, 0] = 0.0

        @pl.when(r == 0)
        def _():
            colmin_s[...] = jnp.full((1, N), BIG, jnp.float32)

        z = z_ref[0]
        px = ax_ref[0] * z
        py = ay_ref[0] * z
        mp = (mp_ref[0] > 0) & (px + py + z != 0.0)
        px = jnp.where(mp, px, SENT)
        py = jnp.where(mp, py, SENT)
        pz = jnp.where(mp, z, SENT)

        gq = gt_ref[0]
        gx, gy, gz = gq[0:1], gq[1:2], gq[2:3]
        mq = (mr_ref[0] > 0) & (gx + gy + gz != 0.0)
        gx = jnp.where(mq, gx, SENT)
        gy = jnp.where(mq, gy, SENT)
        gz = jnp.where(mq, gz, SENT)

        pp = px * px + py * py + pz * pz
        qq = gx * gx + gy * gy + gz * gz
        one_p = jnp.ones((1, RB), jnp.float32)
        one_q = jnp.ones((1, N), jnp.float32)
        zer_p = jnp.zeros((3, RB), jnp.float32)
        zer_q = jnp.zeros((3, N), jnp.float32)

        pm = jnp.concatenate(
            [-2.0 * px, -2.0 * py, -2.0 * pz, pp, one_p, zer_p], axis=0)
        qm = jnp.concatenate([gx, gy, gz, one_q, qq, zer_q], axis=0)
        d = lax.dot_general(jnp.transpose(pm, (1, 0)), qm,
                            (((1,), (0,)), ((), ())),
                            preferred_element_type=jnp.float32)
        d = jnp.maximum(d, 0.0)

        rowmin = jnp.minimum(jnp.min(d, axis=1, keepdims=True), BIG)
        mpf = jnp.where(mp, 1.0, 0.0)
        s1 = lax.dot_general(mpf, rowmin, (((1,), (0,)), ((), ())),
                             preferred_element_type=jnp.float32)
        acc_s[0, 0] += s1[0, 0]

        colmin_s[...] = jnp.minimum(colmin_s[...],
                                    jnp.min(d, axis=0, keepdims=True))

        @pl.when(r == NRB - 1)
        def _():
            out2_ref[...] = jnp.minimum(colmin_s[...], BIG)[0]

        @pl.when((b == B - 1) & (r == NRB - 1))
        def _():
            out1_ref[0, 0] = acc_s[0, 0]

    return pl.pallas_call(
        body,
        grid=(B, NRB),
        in_specs=[
            pl.BlockSpec((1, 1, RB), lambda b, r: (b, 0, r)),
            pl.BlockSpec((1, 1, RB), lambda b, r: (0, 0, r)),
            pl.BlockSpec((1, 1, RB), lambda b, r: (0, 0, r)),
            pl.BlockSpec((1, 1, RB), lambda b, r: (b, 0, r)),
            pl.BlockSpec((1, 3, N), lambda b, r: (b, 0, 0)),
            pl.BlockSpec((1, 1, N), lambda b, r: (b, 0, 0)),
        ],
        out_specs=[
            pl.BlockSpec(memory_space=pltpu.SMEM),
            pl.BlockSpec((N,), lambda b, r: (b,)),
        ],
        out_shape=[
            jax.ShapeDtypeStruct((1, 1), jnp.float32),
            jax.ShapeDtypeStruct((B * N,), jnp.float32),
        ],
        scratch_shapes=[pltpu.VMEM((1, N), jnp.float32),
                        pltpu.SMEM((1, 1), jnp.float32)],
    )



def _combine(B, N):
    def body(sc1_ref, tc2_ref, sc2_ref, gx_ref, gy_ref, gz_ref, m_ref,
             out_ref, acc_s):
        b = pl.program_id(0)

        @pl.when(b == 0)
        def _():
            acc_s[0, 0] = jnp.sum(sc1_ref[...])

        gx = gx_ref[...]
        gy = gy_ref[...]
        gz = gz_ref[...]
        mq = (m_ref[...] > 0) & (gx + gy + gz != 0.0)
        cm = jnp.minimum(tc2_ref[...], sc2_ref[...])
        acc_s[0, 0] += jnp.sum(jnp.where(mq, cm, 0.0))

        @pl.when(b == B - 1)
        def _():
            out_ref[0, 0] = acc_s[0, 0]

    vspec = pl.BlockSpec((N,), lambda b: (b,))
    return pl.pallas_call(
        body,
        grid=(B,),
        in_specs=[pl.BlockSpec((NW * L,), lambda b: (0,))] + [vspec] * 6,
        out_specs=pl.BlockSpec(memory_space=pltpu.SMEM),
        out_shape=jax.ShapeDtypeStruct((1, 1), jnp.float32),
        scratch_shapes=[pltpu.SMEM((1, 1), jnp.float32)],
    )



def kernel(pred, gt_xyz, mask, fx, fy, cx, cy):
    B, _, H, W = pred.shape
    N = H * W
    fx = jnp.asarray(fx, jnp.float32)
    fy = jnp.asarray(fy, jnp.float32)
    cx = jnp.asarray(cx, jnp.float32)
    cy = jnp.asarray(cy, jnp.float32)

    z = pred.reshape(B * N).astype(jnp.float32)
    gxf = gt_xyz[:, 0, :, :].reshape(B * N).astype(jnp.float32)
    gyf = gt_xyz[:, 1, :, :].reshape(B * N).astype(jnp.float32)
    gzf = gt_xyz[:, 2, :, :].reshape(B * N).astype(jnp.float32)
    m = mask.reshape(B * N).astype(jnp.int32)
    n = jnp.arange(N, dtype=jnp.int32)
    ax = ((n % W).astype(jnp.float32) - cx) / fx
    ay = ((n // W).astype(jnp.float32) - cy) / fy

    sc1, sc2 = _sc_chamfer(B, N)(z, ax, ay, gxf, gyf, gzf, m)

    tc1, tc2 = _tc_chamfer(B, N)(
        pred.reshape(B, 1, N).astype(jnp.float32),
        ax.reshape(1, 1, N), ay.reshape(1, 1, N),
        mask.reshape(B, 1, N).astype(jnp.int32),
        gt_xyz.reshape(B, 3, N).astype(jnp.float32),
        mask.reshape(B, 1, N).astype(jnp.int32))

    d2 = _combine(B, N)(sc1, tc2, sc2, gxf, gyf, gzf, m)

    total = tc1[0, 0] + d2[0, 0]
    return total / jnp.float32(B)

# --- scband reference (transcript-rebuilt; emitter-appended) ---
"""Pipeline reference for scband-pt-gridding-loss-72301479461303 (READ-ONLY COPY).

The authoritative reference and input builder live on the scoring server;
editing this copy changes nothing except your own understanding.
"""

import jax, jax.numpy as jnp
import numpy as np


def get_xyz(depth, fx, fy, cx, cy):
    # depth: [B,1,H,W] -> xyz: [B,3,H,W] via pinhole back-projection
    b, _, h, w = depth.shape
    u = jnp.arange(w, dtype=jnp.float32)
    v = jnp.arange(h, dtype=jnp.float32)
    z = depth[:, 0, :, :]
    x = (u[None, None, :] - cx) * z / fx
    y = (v[None, :, None] - cy) * z / fy
    return jnp.stack([x, y, z], axis=1)


def masked_chamfer(p, q, mp, mq):
    # p,q: [N,3]; mp,mq: [N] bool validity masks (masked-out points are
    # excluded from both nearest-neighbor candidates and the outer sums),
    # faithful to removing rows then running ChamferDistance.
    BIG = 1e10
    d = (jnp.sum(p * p, axis=1)[:, None]
         + jnp.sum(q * q, axis=1)[None, :]
         - 2.0 * (p @ q.T))
    d = jnp.maximum(d, 0.0)  # squared L2 distances
    d1 = jnp.min(jnp.where(mq[None, :], d, BIG), axis=1)
    d1 = jnp.where(mp, d1, 0.0)
    d2 = jnp.min(jnp.where(mp[:, None], d, BIG), axis=0)
    d2 = jnp.where(mq, d2, 0.0)
    return jnp.sum(d1) + jnp.sum(d2)


def setup_inputs(seed: int = 0) -> dict:
    key = jax.random.key(seed)
    k1, k2, k3 = jax.random.split(key, 3)
    B, H, W = 4, 64, 64
    pred = jax.random.uniform(k1, (B, 1, H, W), dtype=jnp.float32)  # depth map
    gt_xyz = jax.random.normal(k2, (B, 3, H, W), dtype=jnp.float32)
    mask = jax.random.randint(k3, (B, 1, H, W), 0, 2, dtype=jnp.int32)
    return {"pred": pred, "gt_xyz": gt_xyz, "mask": mask,
            "fx": 100, "fy": 100, "cx": 32, "cy": 32}


def reference(pred, gt_xyz, mask, fx, fy, cx, cy):
    b = pred.shape[0]
    fx = jnp.asarray(fx, jnp.float32)
    fy = jnp.asarray(fy, jnp.float32)
    cx = jnp.asarray(cx, jnp.float32)
    cy = jnp.asarray(cy, jnp.float32)
    pred_xyz = get_xyz(pred, fx, fy, cx, cy).astype(jnp.float32)
    res = jnp.float32(0.0)
    for i in range(b):
        bm = (mask[i, 0, :, :] > 0).reshape(-1)
        p = jnp.transpose(pred_xyz[i], (1, 2, 0)).reshape(-1, 3)
        q = jnp.transpose(gt_xyz[i], (1, 2, 0)).reshape(-1, 3)
        # ignore_zeros=True: drop all-zero points inside the chamfer op
        mp = bm & (jnp.sum(p, axis=1) != 0)
        mq = bm & (jnp.sum(q, axis=1) != 0)
        res = res + masked_chamfer(p, q, mp, mq)
    return res / b

if __name__ == "__main__":
    import jax
    _d = setup_inputs()
    print(jax.jit(kernel)(*tuple(_d.values())))

</pallas_src>

<mosaic_0001>
#map = affine_map<(d0, d1) -> (0)>
module attributes {stable_mosaic.version = 14 : i64} {
  func.func @cham(%arg0: i32, %arg1: i32, %arg2: memref<16384xf32, #tpu.memory_space<hbm>>, %arg3: memref<4096xf32, #tpu.memory_space<hbm>>, %arg4: memref<4096xf32, #tpu.memory_space<hbm>>, %arg5: memref<16384xf32, #tpu.memory_space<hbm>>, %arg6: memref<16384xf32, #tpu.memory_space<hbm>>, %arg7: memref<16384xf32, #tpu.memory_space<hbm>>, %arg8: memref<16384xi32, #tpu.memory_space<hbm>>, %arg9: memref<512xf32, #tpu.memory_space<hbm>>, %arg10: memref<16384xf32, #tpu.memory_space<hbm>>, %arg11: memref<768xf32, #tpu.memory_space<vmem>>, %arg12: memref<768xf32, #tpu.memory_space<vmem>>, %arg13: memref<768xf32, #tpu.memory_space<vmem>>, %arg14: memref<4096xf32, #tpu.memory_space<vmem>>, %arg15: memref<4096xf32, #tpu.memory_space<vmem>>, %arg16: memref<4096xf32, #tpu.memory_space<vmem>>, %arg17: memref<4096xi32, #tpu.memory_space<vmem>>, %arg18: memref<800xf32, #tpu.memory_space<vmem>>, %arg19: memref<800xf32, #tpu.memory_space<vmem>>, %arg20: memref<800xf32, #tpu.memory_space<vmem>>, %arg21: memref<4128xf32, #tpu.memory_space<vmem>>, %arg22: memref<4128xf32, #tpu.memory_space<vmem>>, %arg23: memref<4128xf32, #tpu.memory_space<vmem>>, %arg24: memref<16xf32, #tpu.memory_space<vmem>>, %arg25: memref<512xf32, #tpu.memory_space<vmem>>) attributes {dimension_semantics = [#tpu.dimension_semantics<core_parallel>, #tpu.dimension_semantics<subcore_parallel>], iteration_bounds = array<i64: 2, 16>, scalar_prefetch = 0 : i64, scratch_operands = 15 : i64, tpu.core_type = #tpu.core_type<sc_vector_subcore>, window_params = [{transform_indices = #map}, {transform_indices = #map}, {transform_indices = #map}, {transform_indices = #map}, {transform_indices = #map}, {transform_indices = #map}, {transform_indices = #map}, {transform_indices = #map}, {transform_indices = #map}]} {
    %mul3A = arith.constant 2 : i32
    %mul3A_0 = arith.muli %arg1, %mul3A : i32
    %add3A = arith.addi %mul3A_0, %arg0 : i32
    %jit3A = arith.constant 8 : i32
    %div3A = arith.divsi %add3A, %jit3A : i32
    %sign3A = arith.constant 0 : i32
    %sign3A_1 = arith.cmpi sgt, %add3A, %sign3A : i32
    %sign3A_2 = arith.extui %sign3A_1 : i1 to i32
    %sign3A_3 = arith.constant 0 : i32
    %sign3A_4 = arith.cmpi slt, %add3A, %sign3A_3 : i32
    %sign3A_5 = arith.extui %sign3A_4 : i1 to i32
    %sign3A_6 = arith.subi %sign3A_2, %sign3A_5 : i32
    %sign3A_7 = arith.constant 0 : i32
    %sign3A_8 = arith.cmpi sgt, %jit3A, %sign3A_7 : i32
    %sign3A_9 = arith.extui %sign3A_8 : i1 to i32
    %sign3A_10 = arith.constant 0 : i32
    %sign3A_11 = arith.cmpi slt, %jit3A, %sign3A_10 : i32
    %sign3A_12 = arith.extui %sign3A_11 : i1 to i32
    %sign3A_13 = arith.subi %sign3A_9, %sign3A_12 : i32
    %ne3A = arith.cmpi ne, %sign3A_6, %sign3A_13 : i32
    %rem3A = arith.remsi %add3A, %jit3A : i32
    %ne3A_14 = arith.constant 0 : i32
    %ne3A_15 = arith.cmpi ne, %rem3A, %ne3A_14 : i32
    %and3A = arith.andi %ne3A, %ne3A_15 : i1
    %sub3A = arith.constant 1 : i32
    %sub3A_16 = arith.subi %div3A, %sub3A : i32
    %select_n3A = arith.select %and3A, %sub3A_16, %div3A : i32
    %jit3A_17 = arith.constant 8 : i32
    %eq3A = arith.constant 0 : i32
    %eq3A_18 = arith.cmpi eq, %jit3A_17, %eq3A : i32
    %jit3A_19 = arith.constant 1 : i32
    %select_n3A_20 = arith.select %eq3A_18, %jit3A_19, %jit3A_17 : i32
    %rem3A_21 = arith.remsi %add3A, %select_n3A_20 : i32
    %ne3A_22 = arith.constant 0 : i32
    %ne3A_23 = arith.cmpi ne, %rem3A_21, %ne3A_22 : i32
    %lt3A = arith.constant 0 : i32
    %lt3A_24 = arith.cmpi slt, %rem3A_21, %lt3A : i32
    %lt3A_25 = arith.constant 0 : i32
    %lt3A_26 = arith.cmpi slt, %select_n3A_20, %lt3A_25 : i32
    %ne3A_27 = arith.xori %lt3A_24, %lt3A_26 : i1
    %and3A_28 = arith.andi %ne3A_27, %ne3A_23 : i1
    %add3A_29 = arith.addi %rem3A_21, %select_n3A_20 : i32
    %select_n3A_30 = arith.select %and3A_28, %add3A_29, %rem3A_21 : i32
    %mul3A_31 = arith.constant 4096 : i32
    %mul3A_32 = arith.muli %select_n3A, %mul3A_31 : i32
    %add3A_33 = arith.constant 3328 : i32
    %add3A_34 = arith.addi %mul3A_32, %add3A_33 : i32
    "tpu.region"() ({
      %run_scoped3A = tpu.sem_alloc : memref<!tpu.dma_semaphore, #tpu.memory_space<semaphore_mem>>
      %dma_start3A = tpu.memref_slice %arg2[%add3A_34] : memref<16384xf32, #tpu.memory_space<hbm>> -> memref<768xf32, #tpu.memory_space<hbm>>
      %dma_start3A_198 = tpu.memref_slice %arg2[%add3A_34] : memref<16384xf32, #tpu.memory_space<hbm>> -> memref<768xf32, #tpu.memory_space<hbm>>
      tpu.enqueue_dma source(%dma_start3A_198 : memref<768xf32, #tpu.memory_space<hbm>>) target(%arg11 : memref<768xf32, #tpu.memory_space<vmem>>) target_semaphore(%run_scoped3A : memref<!tpu.dma_semaphore, #tpu.memory_space<semaphore_mem>>)
      %dma_wait3A = tpu.memref_slice %arg2[%add3A_34] : memref<16384xf32, #tpu.memory_space<hbm>> -> memref<768xf32, #tpu.memory_space<hbm>>
      %dma_wait3A_199 = tpu.memref_slice %arg2[%add3A_34] : memref<16384xf32, #tpu.memory_space<hbm>> -> memref<768xf32, #tpu.memory_space<hbm>>
      tpu.wait_dma2 semaphore(%run_scoped3A : memref<!tpu.dma_semaphore, #tpu.memory_space<semaphore_mem>>) src(%dma_wait3A_199 : memref<768xf32, #tpu.memory_space<hbm>>) dst(%arg11 : memref<768xf32, #tpu.memory_space<vmem>>)
      tpu.yield
    }) : () -> ()
    "tpu.region"() ({
      %run_scoped3A = tpu.sem_alloc : memref<!tpu.dma_semaphore, #tpu.memory_space<semaphore_mem>>
      %dma_start3A = arith.constant 3328 : i32
      %dma_start3A_198 = tpu.memref_slice %arg3[%dma_start3A] : memref<4096xf32, #tpu.memory_space<hbm>> -> memref<768xf32, #tpu.memory_space<hbm>>
      %dma_start3A_199 = arith.constant 3328 : i32
      %dma_start3A_200 = tpu.memref_slice %arg3[%dma_start3A_199] : memref<4096xf32, #tpu.memory_space<hbm>> -> memref<768xf32, #tpu.memory_space<hbm>>
      tpu.enqueue_dma source(%dma_start3A_200 : memref<768xf32, #tpu.memory_space<hbm>>) target(%arg12 : memref<768xf32, #tpu.memory_space<vmem>>) target_semaphore(%run_scoped3A : memref<!tpu.dma_semaphore, #tpu.memory_space<semaphore_mem>>)
      %dma_wait3A = arith.constant 3328 : i32
      %dma_wait3A_201 = tpu.memref_slice %arg3[%dma_wait3A] : memref<4096xf32, #tpu.memory_space<hbm>> -> memref<768xf32, #tpu.memory_space<hbm>>
      %dma_wait3A_202 = arith.constant 3328 : i32
      %dma_wait3A_203 = tpu.memref_slice %arg3[%dma_wait3A_202] : memref<4096xf32, #tpu.memory_space<hbm>> -> memref<768xf32, #tpu.memory_space<hbm>>
      tpu.wait_dma2 semaphore(%run_scoped3A : memref<!tpu.dma_semaphore, #tpu.memory_space<semaphore_mem>>) src(%dma_wait3A_203 : memref<768xf32, #tpu.memory_space<hbm>>) dst(%arg12 : memref<768xf32, #tpu.memory_space<vmem>>)
      tpu.yield
    }) : () -> ()
    "tpu.region"() ({
      %run_scoped3A = tpu.sem_alloc : memref<!tpu.dma_semaphore, #tpu.memory_space<semaphore_mem>>
      %dma_start3A = arith.constant 3328 : i32
      %dma_start3A_198 = tpu.memref_slice %arg4[%dma_start3A] : memref<4096xf32, #tpu.memory_space<hbm>> -> memref<768xf32, #tpu.memory_space<hbm>>
      %dma_start3A_199 = arith.constant 3328 : i32
      %dma_start3A_200 = tpu.memref_slice %arg4[%dma_start3A_199] : memref<4096xf32, #tpu.memory_space<hbm>> -> memref<768xf32, #tpu.memory_space<hbm>>
      tpu.enqueue_dma source(%dma_start3A_200 : memref<768xf32, #tpu.memory_space<hbm>>) target(%arg13 : memref<768xf32, #tpu.memory_space<vmem>>) target_semaphore(%run_scoped3A : memref<!tpu.dma_semaphore, #tpu.memory_space<semaphore_mem>>)
      %dma_wait3A = arith.constant 3328 : i32
      %dma_wait3A_201 = tpu.memref_slice %arg4[%dma_wait3A] : memref<4096xf32, #tpu.memory_space<hbm>> -> memref<768xf32, #tpu.memory_space<hbm>>
      %dma_wait3A_202 = arith.constant 3328 : i32
      %dma_wait3A_203 = tpu.memref_slice %arg4[%dma_wait3A_202] : memref<4096xf32, #tpu.memory_space<hbm>> -> memref<768xf32, #tpu.memory_space<hbm>>
      tpu.wait_dma2 semaphore(%run_scoped3A : memref<!tpu.dma_semaphore, #tpu.memory_space<semaphore_mem>>) src(%dma_wait3A_203 : memref<768xf32, #tpu.memory_space<hbm>>) dst(%arg13 : memref<768xf32, #tpu.memory_space<vmem>>)
      tpu.yield
    }) : () -> ()
    "tpu.region"() ({
      %run_scoped3A = tpu.sem_alloc : memref<!tpu.dma_semaphore, #tpu.memory_space<semaphore_mem>>
      %dma_start3A = tpu.memref_slice %arg5[%mul3A_32] : memref<16384xf32, #tpu.memory_space<hbm>> -> memref<4096xf32, #tpu.memory_space<hbm>>
      %dma_start3A_198 = tpu.memref_slice %arg5[%mul3A_32] : memref<16384xf32, #tpu.memory_space<hbm>> -> memref<4096xf32, #tpu.memory_space<hbm>>
      tpu.enqueue_dma source(%dma_start3A_198 : memref<4096xf32, #tpu.memory_space<hbm>>) target(%arg14 : memref<4096xf32, #tpu.memory_space<vmem>>) target_semaphore(%run_scoped3A : memref<!tpu.dma_semaphore, #tpu.memory_space<semaphore_mem>>)
      %dma_wait3A = tpu.memref_slice %arg5[%mul3A_32] : memref<16384xf32, #tpu.memory_space<hbm>> -> memref<4096xf32, #tpu.memory_space<hbm>>
      %dma_wait3A_199 = tpu.memref_slice %arg5[%mul3A_32] : memref<16384xf32, #tpu.memory_space<hbm>> -> memref<4096xf32, #tpu.memory_space<hbm>>
      tpu.wait_dma2 semaphore(%run_scoped3A : memref<!tpu.dma_semaphore, #tpu.memory_space<semaphore_mem>>) src(%dma_wait3A_199 : memref<4096xf32, #tpu.memory_space<hbm>>) dst(%arg14 : memref<4096xf32, #tpu.memory_space<vmem>>)
      tpu.yield
    }) : () -> ()
    "tpu.region"() ({
      %run_scoped3A = tpu.sem_alloc : memref<!tpu.dma_semaphore, #tpu.memory_space<semaphore_mem>>
      %dma_start3A = tpu.memref_slice %arg6[%mul3A_32] : memref<16384xf32, #tpu.memory_space<hbm>> -> memref<4096xf32, #tpu.memory_space<hbm>>
      %dma_start3A_198 = tpu.memref_slice %arg6[%mul3A_32] : memref<16384xf32, #tpu.memory_space<hbm>> -> memref<4096xf32, #tpu.memory_space<hbm>>
      tpu.enqueue_dma source(%dma_start3A_198 : memref<4096xf32, #tpu.memory_space<hbm>>) target(%arg15 : memref<4096xf32, #tpu.memory_space<vmem>>) target_semaphore(%run_scoped3A : memref<!tpu.dma_semaphore, #tpu.memory_space<semaphore_mem>>)
      %dma_wait3A = tpu.memref_slice %arg6[%mul3A_32] : memref<16384xf32, #tpu.memory_space<hbm>> -> memref<4096xf32, #tpu.memory_space<hbm>>
      %dma_wait3A_199 = tpu.memref_slice %arg6[%mul3A_32] : memref<16384xf32, #tpu.memory_space<hbm>> -> memref<4096xf32, #tpu.memory_space<hbm>>
      tpu.wait_dma2 semaphore(%run_scoped3A : memref<!tpu.dma_semaphore, #tpu.memory_space<semaphore_mem>>) src(%dma_wait3A_199 : memref<4096xf32, #tpu.memory_space<hbm>>) dst(%arg15 : memref<4096xf32, #tpu.memory_space<vmem>>)
      tpu.yield
    }) : () -> ()
    "tpu.region"() ({
      %run_scoped3A = tpu.sem_alloc : memref<!tpu.dma_semaphore, #tpu.memory_space<semaphore_mem>>
      %dma_start3A = tpu.memref_slice %arg7[%mul3A_32] : memref<16384xf32, #tpu.memory_space<hbm>> -> memref<4096xf32, #tpu.memory_space<hbm>>
      %dma_start3A_198 = tpu.memref_slice %arg7[%mul3A_32] : memref<16384xf32, #tpu.memory_space<hbm>> -> memref<4096xf32, #tpu.memory_space<hbm>>
      tpu.enqueue_dma source(%dma_start3A_198 : memref<4096xf32, #tpu.memory_space<hbm>>) target(%arg16 : memref<4096xf32, #tpu.memory_space<vmem>>) target_semaphore(%run_scoped3A : memref<!tpu.dma_semaphore, #tpu.memory_space<semaphore_mem>>)
      %dma_wait3A = tpu.memref_slice %arg7[%mul3A_32] : memref<16384xf32, #tpu.memory_space<hbm>> -> memref<4096xf32, #tpu.memory_space<hbm>>
      %dma_wait3A_199 = tpu.memref_slice %arg7[%mul3A_32] : memref<16384xf32, #tpu.memory_space<hbm>> -> memref<4096xf32, #tpu.memory_space<hbm>>
      tpu.wait_dma2 semaphore(%run_scoped3A : memref<!tpu.dma_semaphore, #tpu.memory_space<semaphore_mem>>) src(%dma_wait3A_199 : memref<4096xf32, #tpu.memory_space<hbm>>) dst(%arg16 : memref<4096xf32, #tpu.memory_space<vmem>>)
      tpu.yield
    }) : () -> ()
    "tpu.region"() ({
      %run_scoped3A = tpu.sem_alloc : memref<!tpu.dma_semaphore, #tpu.memory_space<semaphore_mem>>
      %dma_start3A = tpu.memref_slice %arg8[%mul3A_32] : memref<16384xi32, #tpu.memory_space<hbm>> -> memref<4096xi32, #tpu.memory_space<hbm>>
      %dma_start3A_198 = tpu.memref_slice %arg8[%mul3A_32] : memref<16384xi32, #tpu.memory_space<hbm>> -> memref<4096xi32, #tpu.memory_space<hbm>>
      tpu.enqueue_dma source(%dma_start3A_198 : memref<4096xi32, #tpu.memory_space<hbm>>) target(%arg17 : memref<4096xi32, #tpu.memory_space<vmem>>) target_semaphore(%run_scoped3A : memref<!tpu.dma_semaphore, #tpu.memory_space<semaphore_mem>>)
      %dma_wait3A = tpu.memref_slice %arg8[%mul3A_32] : memref<16384xi32, #tpu.memory_space<hbm>> -> memref<4096xi32, #tpu.memory_space<hbm>>
      %dma_wait3A_199 = tpu.memref_slice %arg8[%mul3A_32] : memref<16384xi32, #tpu.memory_space<hbm>> -> memref<4096xi32, #tpu.memory_space<hbm>>
      tpu.wait_dma2 semaphore(%run_scoped3A : memref<!tpu.dma_semaphore, #tpu.memory_space<semaphore_mem>>) src(%dma_wait3A_199 : memref<4096xi32, #tpu.memory_space<hbm>>) dst(%arg17 : memref<4096xi32, #tpu.memory_space<vmem>>)
      tpu.yield
    }) : () -> ()
    %scan3A = arith.constant 0 : i32
    %scan3A_35 = arith.constant 0 : i32
    %scan3A_36 = arith.constant 256 : i32
    %scan3A_37 = arith.addi %scan3A_35, %scan3A_36 : i32
    %scan3A_38 = arith.constant 1 : i32
    %scan3A_39 = scf.for %scan3A_198 = %scan3A_35 to %scan3A_37 step %scan3A_38 iter_args(%scan3A_199 = %scan3A) -> (i32)  : i32 {
      %mul3A_200 = arith.constant 16 : i32
      %mul3A_201 = arith.muli %scan3A_198, %mul3A_200 : i32
      %get3A = arith.index_cast %mul3A_201 : i32 to index
      %get3A_202 = tpu.vector_load %arg14[%get3A] {strides = array<i32>} : memref<4096xf32, #tpu.memory_space<vmem>>, vector<16xf32>,
      %get3A_203 = arith.index_cast %mul3A_201 : i32 to index
      %get3A_204 = tpu.vector_load %arg15[%get3A_203] {strides = array<i32>} : memref<4096xf32, #tpu.memory_space<vmem>>, vector<16xf32>,
      %get3A_205 = arith.index_cast %mul3A_201 : i32 to index
      %get3A_206 = tpu.vector_load %arg16[%get3A_205] {strides = array<i32>} : memref<4096xf32, #tpu.memory_space<vmem>>, vector<16xf32>,
      %get3A_207 = arith.index_cast %mul3A_201 : i32 to index
      %get3A_208 = tpu.vector_load %arg17[%get3A_207] {strides = array<i32>} : memref<4096xi32, #tpu.memory_space<vmem>>, vector<16xi32>,
      %gt3A = arith.constant 0 : i32
      %gt3A_209 = vector.broadcast %gt3A : i32 to vector<16xi32>
      %gt3A_210 = arith.cmpi sgt, %get3A_208, %gt3A_209 : vector<16xi32>
      %add3A_211 = arith.addf %get3A_202, %get3A_204 : vector<16xf32>
      %add3A_212 = arith.addf %add3A_211, %get3A_206 : vector<16xf32>
      %ne3A_213 = arith.constant 0.000000e+00 : f32
      %ne3A_214 = vector.broadcast %ne3A_213 : f32 to vector<16xf32>
      %ne3A_215 = arith.cmpf one, %add3A_212, %ne3A_214 : vector<16xf32>
      %and3A_216 = arith.andi %gt3A_210, %ne3A_215 : vector<16xi1>
      %convert_element_type3A = arith.extui %and3A_216 : vector<16xi1> to vector<16xi32>
      %broadcast_in_dim3A_217 = arith.constant true
      %broadcast_in_dim3A_218 = vector.broadcast %broadcast_in_dim3A_217 : i1 to vector<16xi1>
      %masked_cumsum3A = tpu.scan <sum>, %convert_element_type3A masked %broadcast_in_dim3A_218 : vector<16xi32>, vector<16xi1> -> vector<16xi32>
      %sub3A_219 = arith.subi %masked_cumsum3A, %convert_element_type3A : vector<16xi32>
      %add3A_220 = vector.broadcast %scan3A_199 : i32 to vector<16xi32>
      %add3A_221 = arith.addi %add3A_220, %sub3A_219 : vector<16xi32>
      tpu.vector_store_idx %arg21[%add3A_221], %get3A_202 masked %and3A_216 : memref<4128xf32, #tpu.memory_space<vmem>>[vector<16xi32>], vector<16xf32>, vector<16xi1>
      tpu.vector_store_idx %arg22[%add3A_221], %get3A_204 masked %and3A_216 : memref<4128xf32, #tpu.memory_space<vmem>>[vector<16xi32>], vector<16xf32>, vector<16xi1>
      tpu.vector_store_idx %arg23[%add3A_221], %get3A_206 masked %and3A_216 : memref<4128xf32, #tpu.memory_space<vmem>>[vector<16xi32>], vector<16xf32>, vector<16xi1>
      %reduce_sum3A = arith.constant true
      %reduce_sum3A_222 = vector.broadcast %reduce_sum3A : i1 to vector<16xi1>
      %reduce_sum3A_223 = tpu.scan <sum>, %convert_element_type3A masked %reduce_sum3A_222 : vector<16xi32>, vector<16xi1> -> vector<16xi32>
      %reduce_sum3A_224 = vector.extract %reduce_sum3A_223[15] : i32 from vector<16xi32>
      %add3A_225 = arith.addi %scan3A_199, %reduce_sum3A_224 : i32
      scf.yield %add3A_225 : i32
    }
    %scan3A_40 = arith.constant 256 : i32
    %scan3A_41 = arith.constant 0 : i32
    %scan3A_42 = arith.constant 0 : i32
    %scan3A_43 = arith.constant 48 : i32
    %scan3A_44 = arith.addi %scan3A_42, %scan3A_43 : i32
    %scan3A_45 = arith.constant 1 : i32
    %scan3A_46 = scf.for %scan3A_198 = %scan3A_42 to %scan3A_44 step %scan3A_45 iter_args(%scan3A_199 = %scan3A_41) -> (i32)  : i32 {
      %mul3A_200 = arith.constant 16 : i32
      %mul3A_201 = arith.muli %scan3A_198, %mul3A_200 : i32
      %get3A = arith.index_cast %mul3A_201 : i32 to index
      %get3A_202 = tpu.vector_load %arg11[%get3A] {strides = array<i32>} : memref<768xf32, #tpu.memory_space<vmem>>, vector<16xf32>,
      %get3A_203 = arith.index_cast %mul3A_201 : i32 to index
      %get3A_204 = tpu.vector_load %arg12[%get3A_203] {strides = array<i32>} : memref<768xf32, #tpu.memory_space<vmem>>, vector<16xf32>,
      %mul3A_205 = arith.mulf %get3A_204, %get3A_202 : vector<16xf32>
      %get3A_206 = arith.index_cast %mul3A_201 : i32 to index
      %get3A_207 = tpu.vector_load %arg13[%get3A_206] {strides = array<i32>} : memref<768xf32, #tpu.memory_space<vmem>>, vector<16xf32>,
      %mul3A_208 = arith.mulf %get3A_207, %get3A_202 : vector<16xf32>
      %get3A_209 = arith.index_cast %mul3A_201 : i32 to index
      %get3A_210 = tpu.vector_load %arg17[%get3A_209] {strides = array<i32>} : memref<4096xi32, #tpu.memory_space<vmem>>, vector<16xi32>,
      %gt3A = arith.constant 0 : i32
      %gt3A_211 = vector.broadcast %gt3A : i32 to vector<16xi32>
      %gt3A_212 = arith.cmpi sgt, %get3A_210, %gt3A_211 : vector<16xi32>
      %add3A_213 = arith.addf %mul3A_205, %mul3A_208 : vector<16xf32>
      %add3A_214 = arith.addf %add3A_213, %get3A_202 : vector<16xf32>
      %ne3A_215 = arith.constant 0.000000e+00 : f32
      %ne3A_216 = vector.broadcast %ne3A_215 : f32 to vector<16xf32>
      %ne3A_217 = arith.cmpf one, %add3A_214, %ne3A_216 : vector<16xf32>
      %and3A_218 = arith.andi %gt3A_212, %ne3A_217 : vector<16xi1>
      %convert_element_type3A = arith.extui %and3A_218 : vector<16xi1> to vector<16xi32>
      %broadcast_in_dim3A_219 = arith.constant true
      %broadcast_in_dim3A_220 = vector.broadcast %broadcast_in_dim3A_219 : i1 to vector<16xi1>
      %masked_cumsum3A = tpu.scan <sum>, %convert_element_type3A masked %broadcast_in_dim3A_220 : vector<16xi32>, vector<16xi1> -> vector<16xi32>
      %sub3A_221 = arith.subi %masked_cumsum3A, %convert_element_type3A : vector<16xi32>
      %add3A_222 = vector.broadcast %scan3A_199 : i32 to vector<16xi32>
      %add3A_223 = arith.addi %add3A_222, %sub3A_221 : vector<16xi32>
      tpu.vector_store_idx %arg18[%add3A_223], %mul3A_205 masked %and3A_218 : memref<800xf32, #tpu.memory_space<vmem>>[vector<16xi32>], vector<16xf32>, vector<16xi1>
      tpu.vector_store_idx %arg19[%add3A_223], %mul3A_208 masked %and3A_218 : memref<800xf32, #tpu.memory_space<vmem>>[vector<16xi32>], vector<16xf32>, vector<16xi1>
      tpu.vector_store_idx %arg20[%add3A_223], %get3A_202 masked %and3A_218 : memref<800xf32, #tpu.memory_space<vmem>>[vector<16xi32>], vector<16xf32>, vector<16xi1>
      %reduce_sum3A = arith.constant true
      %reduce_sum3A_224 = vector.broadcast %reduce_sum3A : i1 to vector<16xi1>
      %reduce_sum3A_225 = tpu.scan <sum>, %convert_element_type3A masked %reduce_sum3A_224 : vector<16xi32>, vector<16xi1> -> vector<16xi32>
      %reduce_sum3A_226 = vector.extract %reduce_sum3A_225[15] : i32 from vector<16xi32>
      %add3A_227 = arith.addi %scan3A_199, %reduce_sum3A_226 : i32
      scf.yield %add3A_227 : i32
    }
    %scan3A_47 = arith.constant 48 : i32
    %broadcast_in_dim3A = arith.constant 1.000000e+05 : f32
    %broadcast_in_dim3A_48 = vector.broadcast %broadcast_in_dim3A : f32 to vector<16xf32>
    %swap3A = arith.index_cast %scan3A_46 : i32 to index
    %swap3A_49 = tpu.vector_load %arg18[%swap3A] {strides = array<i32>} : memref<800xf32, #tpu.memory_space<vmem>>, vector<16xf32>,
    tpu.vector_store %arg18[%swap3A], %broadcast_in_dim3A_48 {strides = array<i32>} : memref<800xf32, #tpu.memory_space<vmem>>, vector<16xf32>,
    %swap3A_50 = arith.index_cast %scan3A_46 : i32 to index
    %swap3A_51 = tpu.vector_load %arg19[%swap3A_50] {strides = array<i32>} : memref<800xf32, #tpu.memory_space<vmem>>, vector<16xf32>,
    tpu.vector_store %arg19[%swap3A_50], %broadcast_in_dim3A_48 {strides = array<i32>} : memref<800xf32, #tpu.memory_space<vmem>>, vector<16xf32>,
    %swap3A_52 = arith.index_cast %scan3A_46 : i32 to index
    %swap3A_53 = tpu.vector_load %arg20[%swap3A_52] {strides = array<i32>} : memref<800xf32, #tpu.memory_space<vmem>>, vector<16xf32>,
    tpu.vector_store %arg20[%swap3A_52], %broadcast_in_dim3A_48 {strides = array<i32>} : memref<800xf32, #tpu.memory_space<vmem>>, vector<16xf32>,
    %swap3A_54 = arith.index_cast %scan3A_39 : i32 to index
    %swap3A_55 = tpu.vector_load %arg21[%swap3A_54] {strides = array<i32>} : memref<4128xf32, #tpu.memory_space<vmem>>, vector<16xf32>,
    tpu.vector_store %arg21[%swap3A_54], %broadcast_in_dim3A_48 {strides = array<i32>} : memref<4128xf32, #tpu.memory_space<vmem>>, vector<16xf32>,
    %swap3A_56 = arith.index_cast %scan3A_39 : i32 to index
    %swap3A_57 = tpu.vector_load %arg22[%swap3A_56] {strides = array<i32>} : memref<4128xf32, #tpu.memory_space<vmem>>, vector<16xf32>,
    tpu.vector_store %arg22[%swap3A_56], %broadcast_in_dim3A_48 {strides = array<i32>} : memref<4128xf32, #tpu.memory_space<vmem>>, vector<16xf32>,
    %swap3A_58 = arith.index_cast %scan3A_39 : i32 to index
    %swap3A_59 = tpu.vector_load %arg23[%swap3A_58] {strides = array<i32>} : memref<4128xf32, #tpu.memory_space<vmem>>, vector<16xf32>,
    tpu.vector_store %arg23[%swap3A_58], %broadcast_in_dim3A_48 {strides = array<i32>} : memref<4128xf32, #tpu.memory_space<vmem>>, vector<16xf32>,
    %iota3A = tpu.iota {dimensions = array<i32: 0>} : vector<16xi32>
    %add3A_60 = arith.constant 8 : i32
    %add3A_61 = arith.addi %scan3A_46, %add3A_60 : i32
    %sub3A_62 = arith.constant 1 : i32
    %sub3A_63 = arith.subi %add3A_61, %sub3A_62 : i32
    %jit3A_64 = arith.constant 8 : i32
    %div3A_65 = arith.divsi %sub3A_63, %jit3A_64 : i32
    %sign3A_66 = arith.constant 0 : i32
    %sign3A_67 = arith.cmpi sgt, %sub3A_63, %sign3A_66 : i32
    %sign3A_68 = arith.extui %sign3A_67 : i1 to i32
    %sign3A_69 = arith.constant 0 : i32
    %sign3A_70 = arith.cmpi slt, %sub3A_63, %sign3A_69 : i32
    %sign3A_71 = arith.extui %sign3A_70 : i1 to i32
    %sign3A_72 = arith.subi %sign3A_68, %sign3A_71 : i32
    %sign3A_73 = arith.constant 0 : i32
    %sign3A_74 = arith.cmpi sgt, %jit3A_64, %sign3A_73 : i32
    %sign3A_75 = arith.extui %sign3A_74 : i1 to i32
    %sign3A_76 = arith.constant 0 : i32
    %sign3A_77 = arith.cmpi slt, %jit3A_64, %sign3A_76 : i32
    %sign3A_78 = arith.extui %sign3A_77 : i1 to i32
    %sign3A_79 = arith.subi %sign3A_75, %sign3A_78 : i32
    %ne3A_80 = arith.cmpi ne, %sign3A_72, %sign3A_79 : i32
    %rem3A_81 = arith.remsi %sub3A_63, %jit3A_64 : i32
    %ne3A_82 = arith.constant 0 : i32
    %ne3A_83 = arith.cmpi ne, %rem3A_81, %ne3A_82 : i32
    %and3A_84 = arith.andi %ne3A_80, %ne3A_83 : i1
    %sub3A_85 = arith.constant 1 : i32
    %sub3A_86 = arith.subi %div3A_65, %sub3A_85 : i32
    %select_n3A_87 = arith.select %and3A_84, %sub3A_86, %div3A_65 : i32
    %mul3A_88 = arith.muli %select_n3A_30, %select_n3A_87 : i32
    %add3A_89 = arith.addi %mul3A_88, %select_n3A_87 : i32
    %min3A = arith.minsi %scan3A_46, %add3A_89 : i32
    %sub3A_90 = arith.subi %min3A, %mul3A_88 : i32
    %max3A = arith.constant 0 : i32
    %max3A_91 = arith.maxsi %max3A, %sub3A_90 : i32
    %add3A_92 = arith.constant 16 : i32
    %add3A_93 = arith.addi %max3A_91, %add3A_92 : i32
    %sub3A_94 = arith.constant 1 : i32
    %sub3A_95 = arith.subi %add3A_93, %sub3A_94 : i32
    %jit3A_96 = arith.constant 16 : i32
    %div3A_97 = arith.divsi %sub3A_95, %jit3A_96 : i32
    %sign3A_98 = arith.constant 0 : i32
    %sign3A_99 = arith.cmpi sgt, %sub3A_95, %sign3A_98 : i32
    %sign3A_100 = arith.extui %sign3A_99 : i1 to i32
    %sign3A_101 = arith.constant 0 : i32
    %sign3A_102 = arith.cmpi slt, %sub3A_95, %sign3A_101 : i32
    %sign3A_103 = arith.extui %sign3A_102 : i1 to i32
    %sign3A_104 = arith.subi %sign3A_100, %sign3A_103 : i32
    %sign3A_105 = arith.constant 0 : i32
    %sign3A_106 = arith.cmpi sgt, %jit3A_96, %sign3A_105 : i32
    %sign3A_107 = arith.extui %sign3A_106 : i1 to i32
    %sign3A_108 = arith.constant 0 : i32
    %sign3A_109 = arith.cmpi slt, %jit3A_96, %sign3A_108 : i32
    %sign3A_110 = arith.extui %sign3A_109 : i1 to i32
    %sign3A_111 = arith.subi %sign3A_107, %sign3A_110 : i32
    %ne3A_112 = arith.cmpi ne, %sign3A_104, %sign3A_111 : i32
    %rem3A_113 = arith.remsi %sub3A_95, %jit3A_96 : i32
    %ne3A_114 = arith.constant 0 : i32
    %ne3A_115 = arith.cmpi ne, %rem3A_113, %ne3A_114 : i32
    %and3A_116 = arith.andi %ne3A_112, %ne3A_115 : i1
    %sub3A_117 = arith.constant 1 : i32
    %sub3A_118 = arith.subi %div3A_97, %sub3A_117 : i32
    %select_n3A_119 = arith.select %and3A_116, %sub3A_118, %div3A_97 : i32
    %add3A_120 = arith.constant 7 : i32
    %add3A_121 = arith.addi %scan3A_39, %add3A_120 : i32
    %jit3A_122 = arith.constant 8 : i32
    %div3A_123 = arith.divsi %add3A_121, %jit3A_122 : i32
    %sign3A_124 = arith.constant 0 : i32
    %sign3A_125 = arith.cmpi sgt, %add3A_121, %sign3A_124 : i32
    %sign3A_126 = arith.extui %sign3A_125 : i1 to i32
    %sign3A_127 = arith.constant 0 : i32
    %sign3A_128 = arith.cmpi slt, %add3A_121, %sign3A_127 : i32
    %sign3A_129 = arith.extui %sign3A_128 : i1 to i32
    %sign3A_130 = arith.subi %sign3A_126, %sign3A_129 : i32
    %sign3A_131 = arith.constant 0 : i32
    %sign3A_132 = arith.cmpi sgt, %jit3A_122, %sign3A_131 : i32
    %sign3A_133 = arith.extui %sign3A_132 : i1 to i32
    %sign3A_134 = arith.constant 0 : i32
    %sign3A_135 = arith.cmpi slt, %jit3A_122, %sign3A_134 : i32
    %sign3A_136 = arith.extui %sign3A_135 : i1 to i32
    %sign3A_137 = arith.subi %sign3A_133, %sign3A_136 : i32
    %ne3A_138 = arith.cmpi ne, %sign3A_130, %sign3A_137 : i32
    %rem3A_139 = arith.remsi %add3A_121, %jit3A_122 : i32
    %ne3A_140 = arith.constant 0 : i32
    %ne3A_141 = arith.cmpi ne, %rem3A_139, %ne3A_140 : i32
    %and3A_142 = arith.andi %ne3A_138, %ne3A_141 : i1
    %sub3A_143 = arith.constant 1 : i32
    %sub3A_144 = arith.subi %div3A_123, %sub3A_143 : i32
    %select_n3A_145 = arith.select %and3A_142, %sub3A_144, %div3A_123 : i32
    %broadcast_in_dim3A_146 = arith.constant 0.000000e+00 : f32
    %broadcast_in_dim3A_147 = vector.broadcast %broadcast_in_dim3A_146 : f32 to vector<16xf32>
    %while3A = arith.constant 0 : i32
    %while3A_148 = arith.subi %select_n3A_119, %while3A : i32
    %while3A_149 = arith.addi %while3A, %while3A_148 : i32
    %while3A_150 = arith.constant 1 : i32
    %while3A_151 = arith.divsi %while3A_148, %while3A_150 : i32
    %while3A_152 = arith.muli %while3A_151, %while3A_150 : i32
    %while3A_153 = arith.addi %while3A, %while3A_152 : i32
    %while3A_154 = arith.constant 1 : i32
    %while3A_155 = scf.for %while3A_198 = %while3A to %while3A_153 step %while3A_154 iter_args(%while3A_199 = %broadcast_in_dim3A_147) -> (vector<16xf32>)  : i32 {
      %mul3A_200 = arith.constant 16 : i32
      %mul3A_201 = arith.muli %while3A_198, %mul3A_200 : i32
      %add3A_202 = arith.addi %mul3A_88, %mul3A_201 : i32
      %get3A = arith.index_cast %add3A_202 : i32 to index
      %get3A_203 = tpu.vector_load %arg18[%get3A] {strides = array<i32>} : memref<800xf32, #tpu.memory_space<vmem>>, vector<16xf32>,
      %get3A_204 = arith.index_cast %add3A_202 : i32 to index
      %get3A_205 = tpu.vector_load %arg19[%get3A_204] {strides = array<i32>} : memref<800xf32, #tpu.memory_space<vmem>>, vector<16xf32>,
      %get3A_206 = arith.index_cast %add3A_202 : i32 to index
      %get3A_207 = tpu.vector_load %arg20[%get3A_206] {strides = array<i32>} : memref<800xf32, #tpu.memory_space<vmem>>, vector<16xf32>,
      %broadcast_in_dim3A_208 = arith.constant 1.000000e+10 : f32
      %broadcast_in_dim3A_209 = vector.broadcast %broadcast_in_dim3A_208 : f32 to vector<16xf32>
      %while3A_210 = arith.constant 0 : i32
      %while3A_211 = arith.subi %select_n3A_145, %while3A_210 : i32
      %while3A_212 = arith.addi %while3A_210, %while3A_211 : i32
      %while3A_213 = arith.constant 1 : i32
      %while3A_214 = arith.divsi %while3A_211, %while3A_213 : i32
      %while3A_215 = arith.muli %while3A_214, %while3A_213 : i32
      %while3A_216 = arith.addi %while3A_210, %while3A_215 : i32
      %while3A_217 = arith.constant 1 : i32
      %while3A_218 = scf.for %while3A_229 = %while3A_210 to %while3A_216 step %while3A_217 iter_args(%while3A_230 = %broadcast_in_dim3A_209) -> (vector<16xf32>)  : i32 {
        %mul3A_231 = arith.constant 8 : i32
        %mul3A_232 = arith.muli %while3A_229, %mul3A_231 : i32
        %add3A_233 = arith.constant 0 : i32
        %add3A_234 = arith.addi %mul3A_232, %add3A_233 : i32
        %broadcast_in_dim3A_235 = vector.broadcast %add3A_234 : i32 to vector<16xi32>
        %gather3A = tpu.vector_load_idx %arg21[%broadcast_in_dim3A_235] : memref<4128xf32, #tpu.memory_space<vmem>>[vector<16xi32>], vector<16xf32>,
        %gather3A_236 = tpu.vector_load_idx %arg22[%broadcast_in_dim3A_235] : memref<4128xf32, #tpu.memory_space<vmem>>[vector<16xi32>], vector<16xf32>,
        %gather3A_237 = tpu.vector_load_idx %arg23[%broadcast_in_dim3A_235] : memref<4128xf32, #tpu.memory_space<vmem>>[vector<16xi32>], vector<16xf32>,
        %sub3A_238 = arith.subf %get3A_203, %gather3A : vector<16xf32>
        %sub3A_239 = arith.subf %get3A_205, %gather3A_236 : vector<16xf32>
        %sub3A_240 = arith.subf %get3A_207, %gather3A_237 : vector<16xf32>
        %mul3A_241 = arith.mulf %sub3A_238, %sub3A_238 : vector<16xf32>
        %mul3A_242 = arith.mulf %sub3A_239, %sub3A_239 : vector<16xf32>
        %add3A_243 = arith.addf %mul3A_241, %mul3A_242 : vector<16xf32>
        %mul3A_244 = arith.mulf %sub3A_240, %sub3A_240 : vector<16xf32>
        %add3A_245 = arith.addf %add3A_243, %mul3A_244 : vector<16xf32>
        %min3A_246 = arith.minimumf %while3A_230, %add3A_245 : vector<16xf32>
        %add3A_247 = arith.constant 1 : i32
        %add3A_248 = arith.addi %mul3A_232, %add3A_247 : i32
        %broadcast_in_dim3A_249 = vector.broadcast %add3A_248 : i32 to vector<16xi32>
        %gather3A_250 = tpu.vector_load_idx %arg21[%broadcast_in_dim3A_249] : memref<4128xf32, #tpu.memory_space<vmem>>[vector<16xi32>], vector<16xf32>,
        %gather3A_251 = tpu.vector_load_idx %arg22[%broadcast_in_dim3A_249] : memref<4128xf32, #tpu.memory_space<vmem>>[vector<16xi32>], vector<16xf32>,
        %gather3A_252 = tpu.vector_load_idx %arg23[%broadcast_in_dim3A_249] : memref<4128xf32, #tpu.memory_space<vmem>>[vector<16xi32>], vector<16xf32>,
        %sub3A_253 = arith.subf %get3A_203, %gather3A_250 : vector<16xf32>
        %sub3A_254 = arith.subf %get3A_205, %gather3A_251 : vector<16xf32>
        %sub3A_255 = arith.subf %get3A_207, %gather3A_252 : vector<16xf32>
        %mul3A_256 = arith.mulf %sub3A_253, %sub3A_253 : vector<16xf32>
        %mul3A_257 = arith.mulf %sub3A_254, %sub3A_254 : vector<16xf32>
        %add3A_258 = arith.addf %mul3A_256, %mul3A_257 : vector<16xf32>
        %mul3A_259 = arith.mulf %sub3A_255, %sub3A_255 : vector<16xf32>
        %add3A_260 = arith.addf %add3A_258, %mul3A_259 : vector<16xf32>
        %min3A_261 = arith.minimumf %min3A_246, %add3A_260 : vector<16xf32>
        %add3A_262 = arith.constant 2 : i32
        %add3A_263 = arith.addi %mul3A_232, %add3A_262 : i32
        %broadcast_in_dim3A_264 = vector.broadcast %add3A_263 : i32 to vector<16xi32>
        %gather3A_265 = tpu.vector_load_idx %arg21[%broadcast_in_dim3A_264] : memref<4128xf32, #tpu.memory_space<vmem>>[vector<16xi32>], vector<16xf32>,
        %gather3A_266 = tpu.vector_load_idx %arg22[%broadcast_in_dim3A_264] : memref<4128xf32, #tpu.memory_space<vmem>>[vector<16xi32>], vector<16xf32>,
        %gather3A_267 = tpu.vector_load_idx %arg23[%broadcast_in_dim3A_264] : memref<4128xf32, #tpu.memory_space<vmem>>[vector<16xi32>], vector<16xf32>,
        %sub3A_268 = arith.subf %get3A_203, %gather3A_265 : vector<16xf32>
        %sub3A_269 = arith.subf %get3A_205, %gather3A_266 : vector<16xf32>
        %sub3A_270 = arith.subf %get3A_207, %gather3A_267 : vector<16xf32>
        %mul3A_271 = arith.mulf %sub3A_268, %sub3A_268 : vector<16xf32>
        %mul3A_272 = arith.mulf %sub3A_269, %sub3A_269 : vector<16xf32>
        %add3A_273 = arith.addf %mul3A_271, %mul3A_272 : vector<16xf32>
        %mul3A_274 = arith.mulf %sub3A_270, %sub3A_270 : vector<16xf32>
        %add3A_275 = arith.addf %add3A_273, %mul3A_274 : vector<16xf32>
        %min3A_276 = arith.minimumf %min3A_261, %add3A_275 : vector<16xf32>
        %add3A_277 = arith.constant 3 : i32
        %add3A_278 = arith.addi %mul3A_232, %add3A_277 : i32
        %broadcast_in_dim3A_279 = vector.broadcast %add3A_278 : i32 to vector<16xi32>
        %gather3A_280 = tpu.vector_load_idx %arg21[%broadcast_in_dim3A_279] : memref<4128xf32, #tpu.memory_space<vmem>>[vector<16xi32>], vector<16xf32>,
        %gather3A_281 = tpu.vector_load_idx %arg22[%broadcast_in_dim3A_279] : memref<4128xf32, #tpu.memory_space<vmem>>[vector<16xi32>], vector<16xf32>,
        %gather3A_282 = tpu.vector_load_idx %arg23[%broadcast_in_dim3A_279] : memref<4128xf32, #tpu.memory_space<vmem>>[vector<16xi32>], vector<16xf32>,
        %sub3A_283 = arith.subf %get3A_203, %gather3A_280 : vector<16xf32>
        %sub3A_284 = arith.subf %get3A_205, %gather3A_281 : vector<16xf32>
        %sub3A_285 = arith.subf %get3A_207, %gather3A_282 : vector<16xf32>
        %mul3A_286 = arith.mulf %sub3A_283, %sub3A_283 : vector<16xf32>
        %mul3A_287 = arith.mulf %sub3A_284, %sub3A_284 : vector<16xf32>
        %add3A_288 = arith.addf %mul3A_286, %mul3A_287 : vector<16xf32>
        %mul3A_289 = arith.mulf %sub3A_285, %sub3A_285 : vector<16xf32>
        %add3A_290 = arith.addf %add3A_288, %mul3A_289 : vector<16xf32>
        %min3A_291 = arith.minimumf %min3A_276, %add3A_290 : vector<16xf32>
        %add3A_292 = arith.constant 4 : i32
        %add3A_293 = arith.addi %mul3A_232, %add3A_292 : i32
        %broadcast_in_dim3A_294 = vector.broadcast %add3A_293 : i32 to vector<16xi32>
        %gather3A_295 = tpu.vector_load_idx %arg21[%broadcast_in_dim3A_294] : memref<4128xf32, #tpu.memory_space<vmem>>[vector<16xi32>], vector<16xf32>,
        %gather3A_296 = tpu.vector_load_idx %arg22[%broadcast_in_dim3A_294] : memref<4128xf32, #tpu.memory_space<vmem>>[vector<16xi32>], vector<16xf32>,
        %gather3A_297 = tpu.vector_load_idx %arg23[%broadcast_in_dim3A_294] : memref<4128xf32, #tpu.memory_space<vmem>>[vector<16xi32>], vector<16xf32>,
        %sub3A_298 = arith.subf %get3A_203, %gather3A_295 : vector<16xf32>
        %sub3A_299 = arith.subf %get3A_205, %gather3A_296 : vector<16xf32>
        %sub3A_300 = arith.subf %get3A_207, %gather3A_297 : vector<16xf32>
        %mul3A_301 = arith.mulf %sub3A_298, %sub3A_298 : vector<16xf32>
        %mul3A_302 = arith.mulf %sub3A_299, %sub3A_299 : vector<16xf32>
        %add3A_303 = arith.addf %mul3A_301, %mul3A_302 : vector<16xf32>
        %mul3A_304 = arith.mulf %sub3A_300, %sub3A_300 : vector<16xf32>
        %add3A_305 = arith.addf %add3A_303, %mul3A_304 : vector<16xf32>
        %min3A_306 = arith.minimumf %min3A_291, %add3A_305 : vector<16xf32>
        %add3A_307 = arith.constant 5 : i32
        %add3A_308 = arith.addi %mul3A_232, %add3A_307 : i32
        %broadcast_in_dim3A_309 = vector.broadcast %add3A_308 : i32 to vector<16xi32>
        %gather3A_310 = tpu.vector_load_idx %arg21[%broadcast_in_dim3A_309] : memref<4128xf32, #tpu.memory_space<vmem>>[vector<16xi32>], vector<16xf32>,
        %gather3A_311 = tpu.vector_load_idx %arg22[%broadcast_in_dim3A_309] : memref<4128xf32, #tpu.memory_space<vmem>>[vector<16xi32>], vector<16xf32>,
        %gather3A_312 = tpu.vector_load_idx %arg23[%broadcast_in_dim3A_309] : memref<4128xf32, #tpu.memory_space<vmem>>[vector<16xi32>], vector<16xf32>,
        %sub3A_313 = arith.subf %get3A_203, %gather3A_310 : vector<16xf32>
        %sub3A_314 = arith.subf %get3A_205, %gather3A_311 : vector<16xf32>
        %sub3A_315 = arith.subf %get3A_207, %gather3A_312 : vector<16xf32>
        %mul3A_316 = arith.mulf %sub3A_313, %sub3A_313 : vector<16xf32>
        %mul3A_317 = arith.mulf %sub3A_314, %sub3A_314 : vector<16xf32>
        %add3A_318 = arith.addf %mul3A_316, %mul3A_317 : vector<16xf32>
        %mul3A_319 = arith.mulf %sub3A_315, %sub3A_315 : vector<16xf32>
        %add3A_320 = arith.addf %add3A_318, %mul3A_319 : vector<16xf32>
        %min3A_321 = arith.minimumf %min3A_306, %add3A_320 : vector<16xf32>
        %add3A_322 = arith.constant 6 : i32
        %add3A_323 = arith.addi %mul3A_232, %add3A_322 : i32
        %broadcast_in_dim3A_324 = vector.broadcast %add3A_323 : i32 to vector<16xi32>
        %gather3A_325 = tpu.vector_load_idx %arg21[%broadcast_in_dim3A_324] : memref<4128xf32, #tpu.memory_space<vmem>>[vector<16xi32>], vector<16xf32>,
        %gather3A_326 = tpu.vector_load_idx %arg22[%broadcast_in_dim3A_324] : memref<4128xf32, #tpu.memory_space<vmem>>[vector<16xi32>], vector<16xf32>,
        %gather3A_327 = tpu.vector_load_idx %arg23[%broadcast_in_dim3A_324] : memref<4128xf32, #tpu.memory_space<vmem>>[vector<16xi32>], vector<16xf32>,
        %sub3A_328 = arith.subf %get3A_203, %gather3A_325 : vector<16xf32>
        %sub3A_329 = arith.subf %get3A_205, %gather3A_326 : vector<16xf32>
        %sub3A_330 = arith.subf %get3A_207, %gather3A_327 : vector<16xf32>
        %mul3A_331 = arith.mulf %sub3A_328, %sub3A_328 : vector<16xf32>
        %mul3A_332 = arith.mulf %sub3A_329, %sub3A_329 : vector<16xf32>
        %add3A_333 = arith.addf %mul3A_331, %mul3A_332 : vector<16xf32>
        %mul3A_334 = arith.mulf %sub3A_330, %sub3A_330 : vector<16xf32>
        %add3A_335 = arith.addf %add3A_333, %mul3A_334 : vector<16xf32>
        %min3A_336 = arith.minimumf %min3A_321, %add3A_335 : vector<16xf32>
        %add3A_337 = arith.constant 7 : i32
        %add3A_338 = arith.addi %mul3A_232, %add3A_337 : i32
        %broadcast_in_dim3A_339 = vector.broadcast %add3A_338 : i32 to vector<16xi32>
        %gather3A_340 = tpu.vector_load_idx %arg21[%broadcast_in_dim3A_339] : memref<4128xf32, #tpu.memory_space<vmem>>[vector<16xi32>], vector<16xf32>,
        %gather3A_341 = tpu.vector_load_idx %arg22[%broadcast_in_dim3A_339] : memref<4128xf32, #tpu.memory_space<vmem>>[vector<16xi32>], vector<16xf32>,
        %gather3A_342 = tpu.vector_load_idx %arg23[%broadcast_in_dim3A_339] : memref<4128xf32, #tpu.memory_space<vmem>>[vector<16xi32>], vector<16xf32>,
        %sub3A_343 = arith.subf %get3A_203, %gather3A_340 : vector<16xf32>
        %sub3A_344 = arith.subf %get3A_205, %gather3A_341 : vector<16xf32>
        %sub3A_345 = arith.subf %get3A_207, %gather3A_342 : vector<16xf32>
        %mul3A_346 = arith.mulf %sub3A_343, %sub3A_343 : vector<16xf32>
        %mul3A_347 = arith.mulf %sub3A_344, %sub3A_344 : vector<16xf32>
        %add3A_348 = arith.addf %mul3A_346, %mul3A_347 : vector<16xf32>
        %mul3A_349 = arith.mulf %sub3A_345, %sub3A_345 : vector<16xf32>
        %add3A_350 = arith.addf %add3A_348, %mul3A_349 : vector<16xf32>
        %min3A_351 = arith.minimumf %min3A_336, %add3A_350 : vector<16xf32>
        scf.yield %min3A_351 : vector<16xf32>
      }
      %while3A_219 = arith.constant 1 : i32
      %while3A_220 = scf.for %while3A_229 = %while3A_216 to %while3A_212 step %while3A_219 iter_args(%while3A_230 = %while3A_218) -> (vector<16xf32>)  : i32 {
        %mul3A_231 = arith.constant 8 : i32
        %mul3A_232 = arith.muli %while3A_229, %mul3A_231 : i32
        %add3A_233 = arith.constant 0 : i32
        %add3A_234 = arith.addi %mul3A_232, %add3A_233 : i32
        %broadcast_in_dim3A_235 = vector.broadcast %add3A_234 : i32 to vector<16xi32>
        %gather3A = tpu.vector_load_idx %arg21[%broadcast_in_dim3A_235] : memref<4128xf32, #tpu.memory_space<vmem>>[vector<16xi32>], vector<16xf32>,
        %gather3A_236 = tpu.vector_load_idx %arg22[%broadcast_in_dim3A_235] : memref<4128xf32, #tpu.memory_space<vmem>>[vector<16xi32>], vector<16xf32>,
        %gather3A_237 = tpu.vector_load_idx %arg23[%broadcast_in_dim3A_235] : memref<4128xf32, #tpu.memory_space<vmem>>[vector<16xi32>], vector<16xf32>,
        %sub3A_238 = arith.subf %get3A_203, %gather3A : vector<16xf32>
        %sub3A_239 = arith.subf %get3A_205, %gather3A_236 : vector<16xf32>
        %sub3A_240 = arith.subf %get3A_207, %gather3A_237 : vector<16xf32>
        %mul3A_241 = arith.mulf %sub3A_238, %sub3A_238 : vector<16xf32>
        %mul3A_242 = arith.mulf %sub3A_239, %sub3A_239 : vector<16xf32>
        %add3A_243 = arith.addf %mul3A_241, %mul3A_242 : vector<16xf32>
        %mul3A_244 = arith.mulf %sub3A_240, %sub3A_240 : vector<16xf32>
        %add3A_245 = arith.addf %add3A_243, %mul3A_244 : vector<16xf32>
        %min3A_246 = arith.minimumf %while3A_230, %add3A_245 : vector<16xf32>
        %add3A_247 = arith.constant 1 : i32
        %add3A_248 = arith.addi %mul3A_232, %add3A_247 : i32
        %broadcast_in_dim3A_249 = vector.broadcast %add3A_248 : i32 to vector<16xi32>
        %gather3A_250 = tpu.vector_load_idx %arg21[%broadcast_in_dim3A_249] : memref<4128xf32, #tpu.memory_space<vmem>>[vector<16xi32>], vector<16xf32>,
        %gather3A_251 = tpu.vector_load_idx %arg22[%broadcast_in_dim3A_249] : memref<4128xf32, #tpu.memory_space<vmem>>[vector<16xi32>], vector<16xf32>,
        %gather3A_252 = tpu.vector_load_idx %arg23[%broadcast_in_dim3A_249] : memref<4128xf32, #tpu.memory_space<vmem>>[vector<16xi32>], vector<16xf32>,
        %sub3A_253 = arith.subf %get3A_203, %gather3A_250 : vector<16xf32>
        %sub3A_254 = arith.subf %get3A_205, %gather3A_251 : vector<16xf32>
        %sub3A_255 = arith.subf %get3A_207, %gather3A_252 : vector<16xf32>
        %mul3A_256 = arith.mulf %sub3A_253, %sub3A_253 : vector<16xf32>
        %mul3A_257 = arith.mulf %sub3A_254, %sub3A_254 : vector<16xf32>
        %add3A_258 = arith.addf %mul3A_256, %mul3A_257 : vector<16xf32>
        %mul3A_259 = arith.mulf %sub3A_255, %sub3A_255 : vector<16xf32>
        %add3A_260 = arith.addf %add3A_258, %mul3A_259 : vector<16xf32>
        %min3A_261 = arith.minimumf %min3A_246, %add3A_260 : vector<16xf32>
        %add3A_262 = arith.constant 2 : i32
        %add3A_263 = arith.addi %mul3A_232, %add3A_262 : i32
        %broadcast_in_dim3A_264 = vector.broadcast %add3A_263 : i32 to vector<16xi32>
        %gather3A_265 = tpu.vector_load_idx %arg21[%broadcast_in_dim3A_264] : memref<4128xf32, #tpu.memory_space<vmem>>[vector<16xi32>], vector<16xf32>,
        %gather3A_266 = tpu.vector_load_idx %arg22[%broadcast_in_dim3A_264] : memref<4128xf32, #tpu.memory_space<vmem>>[vector<16xi32>], vector<16xf32>,
        %gather3A_267 = tpu.vector_load_idx %arg23[%broadcast_in_dim3A_264] : memref<4128xf32, #tpu.memory_space<vmem>>[vector<16xi32>], vector<16xf32>,
        %sub3A_268 = arith.subf %get3A_203, %gather3A_265 : vector<16xf32>
        %sub3A_269 = arith.subf %get3A_205, %gather3A_266 : vector<16xf32>
        %sub3A_270 = arith.subf %get3A_207, %gather3A_267 : vector<16xf32>
        %mul3A_271 = arith.mulf %sub3A_268, %sub3A_268 : vector<16xf32>
        %mul3A_272 = arith.mulf %sub3A_269, %sub3A_269 : vector<16xf32>
        %add3A_273 = arith.addf %mul3A_271, %mul3A_272 : vector<16xf32>
        %mul3A_274 = arith.mulf %sub3A_270, %sub3A_270 : vector<16xf32>
        %add3A_275 = arith.addf %add3A_273, %mul3A_274 : vector<16xf32>
        %min3A_276 = arith.minimumf %min3A_261, %add3A_275 : vector<16xf32>
        %add3A_277 = arith.constant 3 : i32
        %add3A_278 = arith.addi %mul3A_232, %add3A_277 : i32
        %broadcast_in_dim3A_279 = vector.broadcast %add3A_278 : i32 to vector<16xi32>
        %gather3A_280 = tpu.vector_load_idx %arg21[%broadcast_in_dim3A_279] : memref<4128xf32, #tpu.memory_space<vmem>>[vector<16xi32>], vector<16xf32>,
        %gather3A_281 = tpu.vector_load_idx %arg22[%broadcast_in_dim3A_279] : memref<4128xf32, #tpu.memory_space<vmem>>[vector<16xi32>], vector<16xf32>,
        %gather3A_282 = tpu.vector_load_idx %arg23[%broadcast_in_dim3A_279] : memref<4128xf32, #tpu.memory_space<vmem>>[vector<16xi32>], vector<16xf32>,
        %sub3A_283 = arith.subf %get3A_203, %gather3A_280 : vector<16xf32>
        %sub3A_284 = arith.subf %get3A_205, %gather3A_281 : vector<16xf32>
        %sub3A_285 = arith.subf %get3A_207, %gather3A_282 : vector<16xf32>
        %mul3A_286 = arith.mulf %sub3A_283, %sub3A_283 : vector<16xf32>
        %mul3A_287 = arith.mulf %sub3A_284, %sub3A_284 : vector<16xf32>
        %add3A_288 = arith.addf %mul3A_286, %mul3A_287 : vector<16xf32>
        %mul3A_289 = arith.mulf %sub3A_285, %sub3A_285 : vector<16xf32>
        %add3A_290 = arith.addf %add3A_288, %mul3A_289 : vector<16xf32>
        %min3A_291 = arith.minimumf %min3A_276, %add3A_290 : vector<16xf32>
        %add3A_292 = arith.constant 4 : i32
        %add3A_293 = arith.addi %mul3A_232, %add3A_292 : i32
        %broadcast_in_dim3A_294 = vector.broadcast %add3A_293 : i32 to vector<16xi32>
        %gather3A_295 = tpu.vector_load_idx %arg21[%broadcast_in_dim3A_294] : memref<4128xf32, #tpu.memory_space<vmem>>[vector<16xi32>], vector<16xf32>,
        %gather3A_296 = tpu.vector_load_idx %arg22[%broadcast_in_dim3A_294] : memref<4128xf32, #tpu.memory_space<vmem>>[vector<16xi32>], vector<16xf32>,
        %gather3A_297 = tpu.vector_load_idx %arg23[%broadcast_in_dim3A_294] : memref<4128xf32, #tpu.memory_space<vmem>>[vector<16xi32>], vector<16xf32>,
        %sub3A_298 = arith.subf %get3A_203, %gather3A_295 : vector<16xf32>
        %sub3A_299 = arith.subf %get3A_205, %gather3A_296 : vector<16xf32>
        %sub3A_300 = arith.subf %get3A_207, %gather3A_297 : vector<16xf32>
        %mul3A_301 = arith.mulf %sub3A_298, %sub3A_298 : vector<16xf32>
        %mul3A_302 = arith.mulf %sub3A_299, %sub3A_299 : vector<16xf32>
        %add3A_303 = arith.addf %mul3A_301, %mul3A_302 : vector<16xf32>
        %mul3A_304 = arith.mulf %sub3A_300, %sub3A_300 : vector<16xf32>
        %add3A_305 = arith.addf %add3A_303, %mul3A_304 : vector<16xf32>
        %min3A_306 = arith.minimumf %min3A_291, %add3A_305 : vector<16xf32>
        %add3A_307 = arith.constant 5 : i32
        %add3A_308 = arith.addi %mul3A_232, %add3A_307 : i32
        %broadcast_in_dim3A_309 = vector.broadcast %add3A_308 : i32 to vector<16xi32>
        %gather3A_310 = tpu.vector_load_idx %arg21[%broadcast_in_dim3A_309] : memref<4128xf32, #tpu.memory_space<vmem>>[vector<16xi32>], vector<16xf32>,
        %gather3A_311 = tpu.vector_load_idx %arg22[%broadcast_in_dim3A_309] : memref<4128xf32, #tpu.memory_space<vmem>>[vector<16xi32>], vector<16xf32>,
        %gather3A_312 = tpu.vector_load_idx %arg23[%broadcast_in_dim3A_309] : memref<4128xf32, #tpu.memory_space<vmem>>[vector<16xi32>], vector<16xf32>,
        %sub3A_313 = arith.subf %get3A_203, %gather3A_310 : vector<16xf32>
        %sub3A_314 = arith.subf %get3A_205, %gather3A_311 : vector<16xf32>
        %sub3A_315 = arith.subf %get3A_207, %gather3A_312 : vector<16xf32>
        %mul3A_316 = arith.mulf %sub3A_313, %sub3A_313 : vector<16xf32>
        %mul3A_317 = arith.mulf %sub3A_314, %sub3A_314 : vector<16xf32>
        %add3A_318 = arith.addf %mul3A_316, %mul3A_317 : vector<16xf32>
        %mul3A_319 = arith.mulf %sub3A_315, %sub3A_315 : vector<16xf32>
        %add3A_320 = arith.addf %add3A_318, %mul3A_319 : vector<16xf32>
        %min3A_321 = arith.minimumf %min3A_306, %add3A_320 : vector<16xf32>
        %add3A_322 = arith.constant 6 : i32
        %add3A_323 = arith.addi %mul3A_232, %add3A_322 : i32
        %broadcast_in_dim3A_324 = vector.broadcast %add3A_323 : i32 to vector<16xi32>
        %gather3A_325 = tpu.vector_load_idx %arg21[%broadcast_in_dim3A_324] : memref<4128xf32, #tpu.memory_space<vmem>>[vector<16xi32>], vector<16xf32>,
        %gather3A_326 = tpu.vector_load_idx %arg22[%broadcast_in_dim3A_324] : memref<4128xf32, #tpu.memory_space<vmem>>[vector<16xi32>], vector<16xf32>,
        %gather3A_327 = tpu.vector_load_idx %arg23[%broadcast_in_dim3A_324] : memref<4128xf32, #tpu.memory_space<vmem>>[vector<16xi32>], vector<16xf32>,
        %sub3A_328 = arith.subf %get3A_203, %gather3A_325 : vector<16xf32>
        %sub3A_329 = arith.subf %get3A_205, %gather3A_326 : vector<16xf32>
        %sub3A_330 = arith.subf %get3A_207, %gather3A_327 : vector<16xf32>
        %mul3A_331 = arith.mulf %sub3A_328, %sub3A_328 : vector<16xf32>
        %mul3A_332 = arith.mulf %sub3A_329, %sub3A_329 : vector<16xf32>
        %add3A_333 = arith.addf %mul3A_331, %mul3A_332 : vector<16xf32>
        %mul3A_334 = arith.mulf %sub3A_330, %sub3A_330 : vector<16xf32>
        %add3A_335 = arith.addf %add3A_333, %mul3A_334 : vector<16xf32>
        %min3A_336 = arith.minimumf %min3A_321, %add3A_335 : vector<16xf32>
        %add3A_337 = arith.constant 7 : i32
        %add3A_338 = arith.addi %mul3A_232, %add3A_337 : i32
        %broadcast_in_dim3A_339 = vector.broadcast %add3A_338 : i32 to vector<16xi32>
        %gather3A_340 = tpu.vector_load_idx %arg21[%broadcast_in_dim3A_339] : memref<4128xf32, #tpu.memory_space<vmem>>[vector<16xi32>], vector<16xf32>,
        %gather3A_341 = tpu.vector_load_idx %arg22[%broadcast_in_dim3A_339] : memref<4128xf32, #tpu.memory_space<vmem>>[vector<16xi32>], vector<16xf32>,
        %gather3A_342 = tpu.vector_load_idx %arg23[%broadcast_in_dim3A_339] : memref<4128xf32, #tpu.memory_space<vmem>>[vector<16xi32>], vector<16xf32>,
        %sub3A_343 = arith.subf %get3A_203, %gather3A_340 : vector<16xf32>
        %sub3A_344 = arith.subf %get3A_205, %gather3A_341 : vector<16xf32>
        %sub3A_345 = arith.subf %get3A_207, %gather3A_342 : vector<16xf32>
        %mul3A_346 = arith.mulf %sub3A_343, %sub3A_343 : vector<16xf32>
        %mul3A_347 = arith.mulf %sub3A_344, %sub3A_344 : vector<16xf32>
        %add3A_348 = arith.addf %mul3A_346, %mul3A_347 : vector<16xf32>
        %mul3A_349 = arith.mulf %sub3A_345, %sub3A_345 : vector<16xf32>
        %add3A_350 = arith.addf %add3A_348, %mul3A_349 : vector<16xf32>
        %min3A_351 = arith.minimumf %min3A_336, %add3A_350 : vector<16xf32>
        scf.yield %min3A_351 : vector<16xf32>
      }
      %add3A_221 = vector.broadcast %add3A_202 : i32 to vector<16xi32>
      %add3A_222 = arith.addi %add3A_221, %iota3A : vector<16xi32>
      %lt3A_223 = vector.broadcast %min3A : i32 to vector<16xi32>
      %lt3A_224 = arith.cmpi slt, %add3A_222, %lt3A_223 : vector<16xi32>
      %jit3A_225 = arith.constant 0.000000e+00 : f32
      %broadcast_in_dim3A_226 = vector.broadcast %jit3A_225 : f32 to vector<16xf32>
      %select_n3A_227 = arith.select %lt3A_224, %while3A_220, %broadcast_in_dim3A_226 : vector<16xi1>, vector<16xf32>
      %add3A_228 = arith.addf %while3A_199, %select_n3A_227 : vector<16xf32>
      scf.yield %add3A_228 : vector<16xf32>
    }
    %while3A_156 = arith.constant 1 : i32
    %while3A_157 = scf.for %while3A_198 = %while3A_153 to %while3A_149 step %while3A_156 iter_args(%while3A_199 = %while3A_155) -> (vector<16xf32>)  : i32 {
      %mul3A_200 = arith.constant 16 : i32
      %mul3A_201 = arith.muli %while3A_198, %mul3A_200 : i32
      %add3A_202 = arith.addi %mul3A_88, %mul3A_201 : i32
      %get3A = arith.index_cast %add3A_202 : i32 to index
      %get3A_203 = tpu.vector_load %arg18[%get3A] {strides = array<i32>} : memref<800xf32, #tpu.memory_space<vmem>>, vector<16xf32>,
      %get3A_204 = arith.index_cast %add3A_202 : i32 to index
      %get3A_205 = tpu.vector_load %arg19[%get3A_204] {strides = array<i32>} : memref<800xf32, #tpu.memory_space<vmem>>, vector<16xf32>,
      %get3A_206 = arith.index_cast %add3A_202 : i32 to index
      %get3A_207 = tpu.vector_load %arg20[%get3A_206] {strides = array<i32>} : memref<800xf32, #tpu.memory_space<vmem>>, vector<16xf32>,
      %broadcast_in_dim3A_208 = arith.constant 1.000000e+10 : f32
      %broadcast_in_dim3A_209 = vector.broadcast %broadcast_in_dim3A_208 : f32 to vector<16xf32>
      %while3A_210 = arith.constant 0 : i32
      %while3A_211 = arith.subi %select_n3A_145, %while3A_210 : i32
      %while3A_212 = arith.addi %while3A_210, %while3A_211 : i32
      %while3A_213 = arith.constant 1 : i32
      %while3A_214 = arith.divsi %while3A_211, %while3A_213 : i32
      %while3A_215 = arith.muli %while3A_214, %while3A_213 : i32
      %while3A_216 = arith.addi %while3A_210, %while3A_215 : i32
      %while3A_217 = arith.constant 1 : i32
      %while3A_218 = scf.for %while3A_229 = %while3A_210 to %while3A_216 step %while3A_217 iter_args(%while3A_230 = %broadcast_in_dim3A_209) -> (vector<16xf32>)  : i32 {
        %mul3A_231 = arith.constant 8 : i32
        %mul3A_232 = arith.muli %while3A_229, %mul3A_231 : i32
        %add3A_233 = arith.constant 0 : i32
        %add3A_234 = arith.addi %mul3A_232, %add3A_233 : i32
        %broadcast_in_dim3A_235 = vector.broadcast %add3A_234 : i32 to vector<16xi32>
        %gather3A = tpu.vector_load_idx %arg21[%broadcast_in_dim3A_235] : memref<4128xf32, #tpu.memory_space<vmem>>[vector<16xi32>], vector<16xf32>,
        %gather3A_236 = tpu.vector_load_idx %arg22[%broadcast_in_dim3A_235] : memref<4128xf32, #tpu.memory_space<vmem>>[vector<16xi32>], vector<16xf32>,
        %gather3A_237 = tpu.vector_load_idx %arg23[%broadcast_in_dim3A_235] : memref<4128xf32, #tpu.memory_space<vmem>>[vector<16xi32>], vector<16xf32>,
        %sub3A_238 = arith.subf %get3A_203, %gather3A : vector<16xf32>
        %sub3A_239 = arith.subf %get3A_205, %gather3A_236 : vector<16xf32>
        %sub3A_240 = arith.subf %get3A_207, %gather3A_237 : vector<16xf32>
        %mul3A_241 = arith.mulf %sub3A_238, %sub3A_238 : vector<16xf32>
        %mul3A_242 = arith.mulf %sub3A_239, %sub3A_239 : vector<16xf32>
        %add3A_243 = arith.addf %mul3A_241, %mul3A_242 : vector<16xf32>
        %mul3A_244 = arith.mulf %sub3A_240, %sub3A_240 : vector<16xf32>
        %add3A_245 = arith.addf %add3A_243, %mul3A_244 : vector<16xf32>
        %min3A_246 = arith.minimumf %while3A_230, %add3A_245 : vector<16xf32>
        %add3A_247 = arith.constant 1 : i32
        %add3A_248 = arith.addi %mul3A_232, %add3A_247 : i32
        %broadcast_in_dim3A_249 = vector.broadcast %add3A_248 : i32 to vector<16xi32>
        %gather3A_250 = tpu.vector_load_idx %arg21[%broadcast_in_dim3A_249] : memref<4128xf32, #tpu.memory_space<vmem>>[vector<16xi32>], vector<16xf32>,
        %gather3A_251 = tpu.vector_load_idx %arg22[%broadcast_in_dim3A_249] : memref<4128xf32, #tpu.memory_space<vmem>>[vector<16xi32>], vector<16xf32>,
        %gather3A_252 = tpu.vector_load_idx %arg23[%broadcast_in_dim3A_249] : memref<4128xf32, #tpu.memory_space<vmem>>[vector<16xi32>], vector<16xf32>,
        %sub3A_253 = arith.subf %get3A_203, %gather3A_250 : vector<16xf32>
        %sub3A_254 = arith.subf %get3A_205, %gather3A_251 : vector<16xf32>
        %sub3A_255 = arith.subf %get3A_207, %gather3A_252 : vector<16xf32>
        %mul3A_256 = arith.mulf %sub3A_253, %sub3A_253 : vector<16xf32>
        %mul3A_257 = arith.mulf %sub3A_254, %sub3A_254 : vector<16xf32>
        %add3A_258 = arith.addf %mul3A_256, %mul3A_257 : vector<16xf32>
        %mul3A_259 = arith.mulf %sub3A_255, %sub3A_255 : vector<16xf32>
        %add3A_260 = arith.addf %add3A_258, %mul3A_259 : vector<16xf32>
        %min3A_261 = arith.minimumf %min3A_246, %add3A_260 : vector<16xf32>
        %add3A_262 = arith.constant 2 : i32
        %add3A_263 = arith.addi %mul3A_232, %add3A_262 : i32
        %broadcast_in_dim3A_264 = vector.broadcast %add3A_263 : i32 to vector<16xi32>
        %gather3A_265 = tpu.vector_load_idx %arg21[%broadcast_in_dim3A_264] : memref<4128xf32, #tpu.memory_space<vmem>>[vector<16xi32>], vector<16xf32>,
        %gather3A_266 = tpu.vector_load_idx %arg22[%broadcast_in_dim3A_264] : memref<4128xf32, #tpu.memory_space<vmem>>[vector<16xi32>], vector<16xf32>,
        %gather3A_267 = tpu.vector_load_idx %arg23[%broadcast_in_dim3A_264] : memref<4128xf32, #tpu.memory_space<vmem>>[vector<16xi32>], vector<16xf32>,
        %sub3A_268 = arith.subf %get3A_203, %gather3A_265 : vector<16xf32>
        %sub3A_269 = arith.subf %get3A_205, %gather3A_266 : vector<16xf32>
        %sub3A_270 = arith.subf %get3A_207, %gather3A_267 : vector<16xf32>
        %mul3A_271 = arith.mulf %sub3A_268, %sub3A_268 : vector<16xf32>
        %mul3A_272 = arith.mulf %sub3A_269, %sub3A_269 : vector<16xf32>
        %add3A_273 = arith.addf %mul3A_271, %mul3A_272 : vector<16xf32>
        %mul3A_274 = arith.mulf %sub3A_270, %sub3A_270 : vector<16xf32>
        %add3A_275 = arith.addf %add3A_273, %mul3A_274 : vector<16xf32>
        %min3A_276 = arith.minimumf %min3A_261, %add3A_275 : vector<16xf32>
        %add3A_277 = arith.constant 3 : i32
        %add3A_278 = arith.addi %mul3A_232, %add3A_277 : i32
        %broadcast_in_dim3A_279 = vector.broadcast %add3A_278 : i32 to vector<16xi32>
        %gather3A_280 = tpu.vector_load_idx %arg21[%broadcast_in_dim3A_279] : memref<4128xf32, #tpu.memory_space<vmem>>[vector<16xi32>], vector<16xf32>,
        %gather3A_281 = tpu.vector_load_idx %arg22[%broadcast_in_dim3A_279] : memref<4128xf32, #tpu.memory_space<vmem>>[vector<16xi32>], vector<16xf32>,
        %gather3A_282 = tpu.vector_load_idx %arg23[%broadcast_in_dim3A_279] : memref<4128xf32, #tpu.memory_space<vmem>>[vector<16xi32>], vector<16xf32>,
        %sub3A_283 = arith.subf %get3A_203, %gather3A_280 : vector<16xf32>
        %sub3A_284 = arith.subf %get3A_205, %gather3A_281 : vector<16xf32>
        %sub3A_285 = arith.subf %get3A_207, %gather3A_282 : vector<16xf32>
        %mul3A_286 = arith.mulf %sub3A_283, %sub3A_283 : vector<16xf32>
        %mul3A_287 = arith.mulf %sub3A_284, %sub3A_284 : vector<16xf32>
        %add3A_288 = arith.addf %mul3A_286, %mul3A_287 : vector<16xf32>
        %mul3A_289 = arith.mulf %sub3A_285, %sub3A_285 : vector<16xf32>
        %add3A_290 = arith.addf %add3A_288, %mul3A_289 : vector<16xf32>
        %min3A_291 = arith.minimumf %min3A_276, %add3A_290 : vector<16xf32>
        %add3A_292 = arith.constant 4 : i32
        %add3A_293 = arith.addi %mul3A_232, %add3A_292 : i32
        %broadcast_in_dim3A_294 = vector.broadcast %add3A_293 : i32 to vector<16xi32>
        %gather3A_295 = tpu.vector_load_idx %arg21[%broadcast_in_dim3A_294] : memref<4128xf32, #tpu.memory_space<vmem>>[vector<16xi32>], vector<16xf32>,
        %gather3A_296 = tpu.vector_load_idx %arg22[%broadcast_in_dim3A_294] : memref<4128xf32, #tpu.memory_space<vmem>>[vector<16xi32>], vector<16xf32>,
        %gather3A_297 = tpu.vector_load_idx %arg23[%broadcast_in_dim3A_294] : memref<4128xf32, #tpu.memory_space<vmem>>[vector<16xi32>], vector<16xf32>,
        %sub3A_298 = arith.subf %get3A_203, %gather3A_295 : vector<16xf32>
        %sub3A_299 = arith.subf %get3A_205, %gather3A_296 : vector<16xf32>
        %sub3A_300 = arith.subf %get3A_207, %gather3A_297 : vector<16xf32>
        %mul3A_301 = arith.mulf %sub3A_298, %sub3A_298 : vector<16xf32>
        %mul3A_302 = arith.mulf %sub3A_299, %sub3A_299 : vector<16xf32>
        %add3A_303 = arith.addf %mul3A_301, %mul3A_302 : vector<16xf32>
        %mul3A_304 = arith.mulf %sub3A_300, %sub3A_300 : vector<16xf32>
        %add3A_305 = arith.addf %add3A_303, %mul3A_304 : vector<16xf32>
        %min3A_306 = arith.minimumf %min3A_291, %add3A_305 : vector<16xf32>
        %add3A_307 = arith.constant 5 : i32
        %add3A_308 = arith.addi %mul3A_232, %add3A_307 : i32
        %broadcast_in_dim3A_309 = vector.broadcast %add3A_308 : i32 to vector<16xi32>
        %gather3A_310 = tpu.vector_load_idx %arg21[%broadcast_in_dim3A_309] : memref<4128xf32, #tpu.memory_space<vmem>>[vector<16xi32>], vector<16xf32>,
        %gather3A_311 = tpu.vector_load_idx %arg22[%broadcast_in_dim3A_309] : memref<4128xf32, #tpu.memory_space<vmem>>[vector<16xi32>], vector<16xf32>,
        %gather3A_312 = tpu.vector_load_idx %arg23[%broadcast_in_dim3A_309] : memref<4128xf32, #tpu.memory_space<vmem>>[vector<16xi32>], vector<16xf32>,
        %sub3A_313 = arith.subf %get3A_203, %gather3A_310 : vector<16xf32>
        %sub3A_314 = arith.subf %get3A_205, %gather3A_311 : vector<16xf32>
        %sub3A_315 = arith.subf %get3A_207, %gather3A_312 : vector<16xf32>
        %mul3A_316 = arith.mulf %sub3A_313, %sub3A_313 : vector<16xf32>
        %mul3A_317 = arith.mulf %sub3A_314, %sub3A_314 : vector<16xf32>
        %add3A_318 = arith.addf %mul3A_316, %mul3A_317 : vector<16xf32>
        %mul3A_319 = arith.mulf %sub3A_315, %sub3A_315 : vector<16xf32>
        %add3A_320 = arith.addf %add3A_318, %mul3A_319 : vector<16xf32>
        %min3A_321 = arith.minimumf %min3A_306, %add3A_320 : vector<16xf32>
        %add3A_322 = arith.constant 6 : i32
        %add3A_323 = arith.addi %mul3A_232, %add3A_322 : i32
        %broadcast_in_dim3A_324 = vector.broadcast %add3A_323 : i32 to vector<16xi32>
        %gather3A_325 = tpu.vector_load_idx %arg21[%broadcast_in_dim3A_324] : memref<4128xf32, #tpu.memory_space<vmem>>[vector<16xi32>], vector<16xf32>,
        %gather3A_326 = tpu.vector_load_idx %arg22[%broadcast_in_dim3A_324] : memref<4128xf32, #tpu.memory_space<vmem>>[vector<16xi32>], vector<16xf32>,
        %gather3A_327 = tpu.vector_load_idx %arg23[%broadcast_in_dim3A_324] : memref<4128xf32, #tpu.memory_space<vmem>>[vector<16xi32>], vector<16xf32>,
        %sub3A_328 = arith.subf %get3A_203, %gather3A_325 : vector<16xf32>
        %sub3A_329 = arith.subf %get3A_205, %gather3A_326 : vector<16xf32>
        %sub3A_330 = arith.subf %get3A_207, %gather3A_327 : vector<16xf32>
        %mul3A_331 = arith.mulf %sub3A_328, %sub3A_328 : vector<16xf32>
        %mul3A_332 = arith.mulf %sub3A_329, %sub3A_329 : vector<16xf32>
        %add3A_333 = arith.addf %mul3A_331, %mul3A_332 : vector<16xf32>
        %mul3A_334 = arith.mulf %sub3A_330, %sub3A_330 : vector<16xf32>
        %add3A_335 = arith.addf %add3A_333, %mul3A_334 : vector<16xf32>
        %min3A_336 = arith.minimumf %min3A_321, %add3A_335 : vector<16xf32>
        %add3A_337 = arith.constant 7 : i32
        %add3A_338 = arith.addi %mul3A_232, %add3A_337 : i32
        %broadcast_in_dim3A_339 = vector.broadcast %add3A_338 : i32 to vector<16xi32>
        %gather3A_340 = tpu.vector_load_idx %arg21[%broadcast_in_dim3A_339] : memref<4128xf32, #tpu.memory_space<vmem>>[vector<16xi32>], vector<16xf32>,
        %gather3A_341 = tpu.vector_load_idx %arg22[%broadcast_in_dim3A_339] : memref<4128xf32, #tpu.memory_space<vmem>>[vector<16xi32>], vector<16xf32>,
        %gather3A_342 = tpu.vector_load_idx %arg23[%broadcast_in_dim3A_339] : memref<4128xf32, #tpu.memory_space<vmem>>[vector<16xi32>], vector<16xf32>,
        %sub3A_343 = arith.subf %get3A_203, %gather3A_340 : vector<16xf32>
        %sub3A_344 = arith.subf %get3A_205, %gather3A_341 : vector<16xf32>
        %sub3A_345 = arith.subf %get3A_207, %gather3A_342 : vector<16xf32>
        %mul3A_346 = arith.mulf %sub3A_343, %sub3A_343 : vector<16xf32>
        %mul3A_347 = arith.mulf %sub3A_344, %sub3A_344 : vector<16xf32>
        %add3A_348 = arith.addf %mul3A_346, %mul3A_347 : vector<16xf32>
        %mul3A_349 = arith.mulf %sub3A_345, %sub3A_345 : vector<16xf32>
        %add3A_350 = arith.addf %add3A_348, %mul3A_349 : vector<16xf32>
        %min3A_351 = arith.minimumf %min3A_336, %add3A_350 : vector<16xf32>
        scf.yield %min3A_351 : vector<16xf32>
      }
      %while3A_219 = arith.constant 1 : i32
      %while3A_220 = scf.for %while3A_229 = %while3A_216 to %while3A_212 step %while3A_219 iter_args(%while3A_230 = %while3A_218) -> (vector<16xf32>)  : i32 {
        %mul3A_231 = arith.constant 8 : i32
        %mul3A_232 = arith.muli %while3A_229, %mul3A_231 : i32
        %add3A_233 = arith.constant 0 : i32
        %add3A_234 = arith.addi %mul3A_232, %add3A_233 : i32
        %broadcast_in_dim3A_235 = vector.broadcast %add3A_234 : i32 to vector<16xi32>
        %gather3A = tpu.vector_load_idx %arg21[%broadcast_in_dim3A_235] : memref<4128xf32, #tpu.memory_space<vmem>>[vector<16xi32>], vector<16xf32>,
        %gather3A_236 = tpu.vector_load_idx %arg22[%broadcast_in_dim3A_235] : memref<4128xf32, #tpu.memory_space<vmem>>[vector<16xi32>], vector<16xf32>,
        %gather3A_237 = tpu.vector_load_idx %arg23[%broadcast_in_dim3A_235] : memref<4128xf32, #tpu.memory_space<vmem>>[vector<16xi32>], vector<16xf32>,
        %sub3A_238 = arith.subf %get3A_203, %gather3A : vector<16xf32>
        %sub3A_239 = arith.subf %get3A_205, %gather3A_236 : vector<16xf32>
        %sub3A_240 = arith.subf %get3A_207, %gather3A_237 : vector<16xf32>
        %mul3A_241 = arith.mulf %sub3A_238, %sub3A_238 : vector<16xf32>
        %mul3A_242 = arith.mulf %sub3A_239, %sub3A_239 : vector<16xf32>
        %add3A_243 = arith.addf %mul3A_241, %mul3A_242 : vector<16xf32>
        %mul3A_244 = arith.mulf %sub3A_240, %sub3A_240 : vector<16xf32>
        %add3A_245 = arith.addf %add3A_243, %mul3A_244 : vector<16xf32>
        %min3A_246 = arith.minimumf %while3A_230, %add3A_245 : vector<16xf32>
        %add3A_247 = arith.constant 1 : i32
        %add3A_248 = arith.addi %mul3A_232, %add3A_247 : i32
        %broadcast_in_dim3A_249 = vector.broadcast %add3A_248 : i32 to vector<16xi32>
        %gather3A_250 = tpu.vector_load_idx %arg21[%broadcast_in_dim3A_249] : memref<4128xf32, #tpu.memory_space<vmem>>[vector<16xi32>], vector<16xf32>,
        %gather3A_251 = tpu.vector_load_idx %arg22[%broadcast_in_dim3A_249] : memref<4128xf32, #tpu.memory_space<vmem>>[vector<16xi32>], vector<16xf32>,
        %gather3A_252 = tpu.vector_load_idx %arg23[%broadcast_in_dim3A_249] : memref<4128xf32, #tpu.memory_space<vmem>>[vector<16xi32>], vector<16xf32>,
        %sub3A_253 = arith.subf %get3A_203, %gather3A_250 : vector<16xf32>
        %sub3A_254 = arith.subf %get3A_205, %gather3A_251 : vector<16xf32>
        %sub3A_255 = arith.subf %get3A_207, %gather3A_252 : vector<16xf32>
        %mul3A_256 = arith.mulf %sub3A_253, %sub3A_253 : vector<16xf32>
        %mul3A_257 = arith.mulf %sub3A_254, %sub3A_254 : vector<16xf32>
        %add3A_258 = arith.addf %mul3A_256, %mul3A_257 : vector<16xf32>
        %mul3A_259 = arith.mulf %sub3A_255, %sub3A_255 : vector<16xf32>
        %add3A_260 = arith.addf %add3A_258, %mul3A_259 : vector<16xf32>
        %min3A_261 = arith.minimumf %min3A_246, %add3A_260 : vector<16xf32>
        %add3A_262 = arith.constant 2 : i32
        %add3A_263 = arith.addi %mul3A_232, %add3A_262 : i32
        %broadcast_in_dim3A_264 = vector.broadcast %add3A_263 : i32 to vector<16xi32>
        %gather3A_265 = tpu.vector_load_idx %arg21[%broadcast_in_dim3A_264] : memref<4128xf32, #tpu.memory_space<vmem>>[vector<16xi32>], vector<16xf32>,
        %gather3A_266 = tpu.vector_load_idx %arg22[%broadcast_in_dim3A_264] : memref<4128xf32, #tpu.memory_space<vmem>>[vector<16xi32>], vector<16xf32>,
        %gather3A_267 = tpu.vector_load_idx %arg23[%broadcast_in_dim3A_264] : memref<4128xf32, #tpu.memory_space<vmem>>[vector<16xi32>], vector<16xf32>,
        %sub3A_268 = arith.subf %get3A_203, %gather3A_265 : vector<16xf32>
        %sub3A_269 = arith.subf %get3A_205, %gather3A_266 : vector<16xf32>
        %sub3A_270 = arith.subf %get3A_207, %gather3A_267 : vector<16xf32>
        %mul3A_271 = arith.mulf %sub3A_268, %sub3A_268 : vector<16xf32>
        %mul3A_272 = arith.mulf %sub3A_269, %sub3A_269 : vector<16xf32>
        %add3A_273 = arith.addf %mul3A_271, %mul3A_272 : vector<16xf32>
        %mul3A_274 = arith.mulf %sub3A_270, %sub3A_270 : vector<16xf32>
        %add3A_275 = arith.addf %add3A_273, %mul3A_274 : vector<16xf32>
        %min3A_276 = arith.minimumf %min3A_261, %add3A_275 : vector<16xf32>
        %add3A_277 = arith.constant 3 : i32
        %add3A_278 = arith.addi %mul3A_232, %add3A_277 : i32
        %broadcast_in_dim3A_279 = vector.broadcast %add3A_278 : i32 to vector<16xi32>
        %gather3A_280 = tpu.vector_load_idx %arg21[%broadcast_in_dim3A_279] : memref<4128xf32, #tpu.memory_space<vmem>>[vector<16xi32>], vector<16xf32>,
        %gather3A_281 = tpu.vector_load_idx %arg22[%broadcast_in_dim3A_279] : memref<4128xf32, #tpu.memory_space<vmem>>[vector<16xi32>], vector<16xf32>,
        %gather3A_282 = tpu.vector_load_idx %arg23[%broadcast_in_dim3A_279] : memref<4128xf32, #tpu.memory_space<vmem>>[vector<16xi32>], vector<16xf32>,
        %sub3A_283 = arith.subf %get3A_203, %gather3A_280 : vector<16xf32>
        %sub3A_284 = arith.subf %get3A_205, %gather3A_281 : vector<16xf32>
        %sub3A_285 = arith.subf %get3A_207, %gather3A_282 : vector<16xf32>
        %mul3A_286 = arith.mulf %sub3A_283, %sub3A_283 : vector<16xf32>
        %mul3A_287 = arith.mulf %sub3A_284, %sub3A_284 : vector<16xf32>
        %add3A_288 = arith.addf %mul3A_286, %mul3A_287 : vector<16xf32>
        %mul3A_289 = arith.mulf %sub3A_285, %sub3A_285 : vector<16xf32>
        %add3A_290 = arith.addf %add3A_288, %mul3A_289 : vector<16xf32>
        %min3A_291 = arith.minimumf %min3A_276, %add3A_290 : vector<16xf32>
        %add3A_292 = arith.constant 4 : i32
        %add3A_293 = arith.addi %mul3A_232, %add3A_292 : i32
        %broadcast_in_dim3A_294 = vector.broadcast %add3A_293 : i32 to vector<16xi32>
        %gather3A_295 = tpu.vector_load_idx %arg21[%broadcast_in_dim3A_294] : memref<4128xf32, #tpu.memory_space<vmem>>[vector<16xi32>], vector<16xf32>,
        %gather3A_296 = tpu.vector_load_idx %arg22[%broadcast_in_dim3A_294] : memref<4128xf32, #tpu.memory_space<vmem>>[vector<16xi32>], vector<16xf32>,
        %gather3A_297 = tpu.vector_load_idx %arg23[%broadcast_in_dim3A_294] : memref<4128xf32, #tpu.memory_space<vmem>>[vector<16xi32>], vector<16xf32>,
        %sub3A_298 = arith.subf %get3A_203, %gather3A_295 : vector<16xf32>
        %sub3A_299 = arith.subf %get3A_205, %gather3A_296 : vector<16xf32>
        %sub3A_300 = arith.subf %get3A_207, %gather3A_297 : vector<16xf32>
        %mul3A_301 = arith.mulf %sub3A_298, %sub3A_298 : vector<16xf32>
        %mul3A_302 = arith.mulf %sub3A_299, %sub3A_299 : vector<16xf32>
        %add3A_303 = arith.addf %mul3A_301, %mul3A_302 : vector<16xf32>
        %mul3A_304 = arith.mulf %sub3A_300, %sub3A_300 : vector<16xf32>
        %add3A_305 = arith.addf %add3A_303, %mul3A_304 : vector<16xf32>
        %min3A_306 = arith.minimumf %min3A_291, %add3A_305 : vector<16xf32>
        %add3A_307 = arith.constant 5 : i32
        %add3A_308 = arith.addi %mul3A_232, %add3A_307 : i32
        %broadcast_in_dim3A_309 = vector.broadcast %add3A_308 : i32 to vector<16xi32>
        %gather3A_310 = tpu.vector_load_idx %arg21[%broadcast_in_dim3A_309] : memref<4128xf32, #tpu.memory_space<vmem>>[vector<16xi32>], vector<16xf32>,
        %gather3A_311 = tpu.vector_load_idx %arg22[%broadcast_in_dim3A_309] : memref<4128xf32, #tpu.memory_space<vmem>>[vector<16xi32>], vector<16xf32>,
        %gather3A_312 = tpu.vector_load_idx %arg23[%broadcast_in_dim3A_309] : memref<4128xf32, #tpu.memory_space<vmem>>[vector<16xi32>], vector<16xf32>,
        %sub3A_313 = arith.subf %get3A_203, %gather3A_310 : vector<16xf32>
        %sub3A_314 = arith.subf %get3A_205, %gather3A_311 : vector<16xf32>
        %sub3A_315 = arith.subf %get3A_207, %gather3A_312 : vector<16xf32>
        %mul3A_316 = arith.mulf %sub3A_313, %sub3A_313 : vector<16xf32>
        %mul3A_317 = arith.mulf %sub3A_314, %sub3A_314 : vector<16xf32>
        %add3A_318 = arith.addf %mul3A_316, %mul3A_317 : vector<16xf32>
        %mul3A_319 = arith.mulf %sub3A_315, %sub3A_315 : vector<16xf32>
        %add3A_320 = arith.addf %add3A_318, %mul3A_319 : vector<16xf32>
        %min3A_321 = arith.minimumf %min3A_306, %add3A_320 : vector<16xf32>
        %add3A_322 = arith.constant 6 : i32
        %add3A_323 = arith.addi %mul3A_232, %add3A_322 : i32
        %broadcast_in_dim3A_324 = vector.broadcast %add3A_323 : i32 to vector<16xi32>
        %gather3A_325 = tpu.vector_load_idx %arg21[%broadcast_in_dim3A_324] : memref<4128xf32, #tpu.memory_space<vmem>>[vector<16xi32>], vector<16xf32>,
        %gather3A_326 = tpu.vector_load_idx %arg22[%broadcast_in_dim3A_324] : memref<4128xf32, #tpu.memory_space<vmem>>[vector<16xi32>], vector<16xf32>,
        %gather3A_327 = tpu.vector_load_idx %arg23[%broadcast_in_dim3A_324] : memref<4128xf32, #tpu.memory_space<vmem>>[vector<16xi32>], vector<16xf32>,
        %sub3A_328 = arith.subf %get3A_203, %gather3A_325 : vector<16xf32>
        %sub3A_329 = arith.subf %get3A_205, %gather3A_326 : vector<16xf32>
        %sub3A_330 = arith.subf %get3A_207, %gather3A_327 : vector<16xf32>
        %mul3A_331 = arith.mulf %sub3A_328, %sub3A_328 : vector<16xf32>
        %mul3A_332 = arith.mulf %sub3A_329, %sub3A_329 : vector<16xf32>
        %add3A_333 = arith.addf %mul3A_331, %mul3A_332 : vector<16xf32>
        %mul3A_334 = arith.mulf %sub3A_330, %sub3A_330 : vector<16xf32>
        %add3A_335 = arith.addf %add3A_333, %mul3A_334 : vector<16xf32>
        %min3A_336 = arith.minimumf %min3A_321, %add3A_335 : vector<16xf32>
        %add3A_337 = arith.constant 7 : i32
        %add3A_338 = arith.addi %mul3A_232, %add3A_337 : i32
        %broadcast_in_dim3A_339 = vector.broadcast %add3A_338 : i32 to vector<16xi32>
        %gather3A_340 = tpu.vector_load_idx %arg21[%broadcast_in_dim3A_339] : memref<4128xf32, #tpu.memory_space<vmem>>[vector<16xi32>], vector<16xf32>,
        %gather3A_341 = tpu.vector_load_idx %arg22[%broadcast_in_dim3A_339] : memref<4128xf32, #tpu.memory_space<vmem>>[vector<16xi32>], vector<16xf32>,
        %gather3A_342 = tpu.vector_load_idx %arg23[%broadcast_in_dim3A_339] : memref<4128xf32, #tpu.memory_space<vmem>>[vector<16xi32>], vector<16xf32>,
        %sub3A_343 = arith.subf %get3A_203, %gather3A_340 : vector<16xf32>
        %sub3A_344 = arith.subf %get3A_205, %gather3A_341 : vector<16xf32>
        %sub3A_345 = arith.subf %get3A_207, %gather3A_342 : vector<16xf32>
        %mul3A_346 = arith.mulf %sub3A_343, %sub3A_343 : vector<16xf32>
        %mul3A_347 = arith.mulf %sub3A_344, %sub3A_344 : vector<16xf32>
        %add3A_348 = arith.addf %mul3A_346, %mul3A_347 : vector<16xf32>
        %mul3A_349 = arith.mulf %sub3A_345, %sub3A_345 : vector<16xf32>
        %add3A_350 = arith.addf %add3A_348, %mul3A_349 : vector<16xf32>
        %min3A_351 = arith.minimumf %min3A_336, %add3A_350 : vector<16xf32>
        scf.yield %min3A_351 : vector<16xf32>
      }
      %add3A_221 = vector.broadcast %add3A_202 : i32 to vector<16xi32>
      %add3A_222 = arith.addi %add3A_221, %iota3A : vector<16xi32>
      %lt3A_223 = vector.broadcast %min3A : i32 to vector<16xi32>
      %lt3A_224 = arith.cmpi slt, %add3A_222, %lt3A_223 : vector<16xi32>
      %jit3A_225 = arith.constant 0.000000e+00 : f32
      %broadcast_in_dim3A_226 = vector.broadcast %jit3A_225 : f32 to vector<16xf32>
      %select_n3A_227 = arith.select %lt3A_224, %while3A_220, %broadcast_in_dim3A_226 : vector<16xi1>, vector<16xf32>
      %add3A_228 = arith.addf %while3A_199, %select_n3A_227 : vector<16xf32>
      scf.yield %add3A_228 : vector<16xf32>
    }
    %swap3A_158 = arith.constant 0 : index
    %swap3A_159 = tpu.vector_load %arg24[%swap3A_158] {strides = array<i32>} : memref<16xf32, #tpu.memory_space<vmem>>, vector<16xf32>,
    tpu.vector_store %arg24[%swap3A_158], %while3A_157 {strides = array<i32>} : memref<16xf32, #tpu.memory_space<vmem>>, vector<16xf32>,
    %mul3A_160 = arith.constant 16 : i32
    %mul3A_161 = arith.muli %add3A, %mul3A_160 : i32
    "tpu.region"() ({
      %run_scoped3A = tpu.sem_alloc : memref<!tpu.dma_semaphore, #tpu.memory_space<semaphore_mem>>
      %dma_start3A = tpu.memref_slice %arg9[%mul3A_161] : memref<512xf32, #tpu.memory_space<hbm>> -> memref<16xf32, #tpu.memory_space<hbm>>
      %dma_start3A_198 = tpu.memref_slice %arg9[%mul3A_161] : memref<512xf32, #tpu.memory_space<hbm>> -> memref<16xf32, #tpu.memory_space<hbm>>
      tpu.enqueue_dma source(%arg24 : memref<16xf32, #tpu.memory_space<vmem>>) target(%dma_start3A_198 : memref<16xf32, #tpu.memory_space<hbm>>) target_semaphore(%run_scoped3A : memref<!tpu.dma_semaphore, #tpu.memory_space<semaphore_mem>>)
      %dma_wait3A = tpu.memref_slice %arg9[%mul3A_161] : memref<512xf32, #tpu.memory_space<hbm>> -> memref<16xf32, #tpu.memory_space<hbm>>
      %dma_wait3A_199 = tpu.memref_slice %arg9[%mul3A_161] : memref<512xf32, #tpu.memory_space<hbm>> -> memref<16xf32, #tpu.memory_space<hbm>>
      tpu.wait_dma2 semaphore(%run_scoped3A : memref<!tpu.dma_semaphore, #tpu.memory_space<semaphore_mem>>) src(%arg24 : memref<16xf32, #tpu.memory_space<vmem>>) dst(%dma_wait3A_199 : memref<16xf32, #tpu.memory_space<hbm>>)
      tpu.yield
    }) : () -> ()
    %add3A_162 = arith.constant 7 : i32
    %add3A_163 = arith.addi %scan3A_46, %add3A_162 : i32
    %jit3A_164 = arith.constant 8 : i32
    %div3A_165 = arith.divsi %add3A_163, %jit3A_164 : i32
    %sign3A_166 = arith.constant 0 : i32
    %sign3A_167 = arith.cmpi sgt, %add3A_163, %sign3A_166 : i32
    %sign3A_168 = arith.extui %sign3A_167 : i1 to i32
    %sign3A_169 = arith.constant 0 : i32
    %sign3A_170 = arith.cmpi slt, %add3A_163, %sign3A_169 : i32
    %sign3A_171 = arith.extui %sign3A_170 : i1 to i32
    %sign3A_172 = arith.subi %sign3A_168, %sign3A_171 : i32
    %sign3A_173 = arith.constant 0 : i32
    %sign3A_174 = arith.cmpi sgt, %jit3A_164, %sign3A_173 : i32
    %sign3A_175 = arith.extui %sign3A_174 : i1 to i32
    %sign3A_176 = arith.constant 0 : i32
    %sign3A_177 = arith.cmpi slt, %jit3A_164, %sign3A_176 : i32
    %sign3A_178 = arith.extui %sign3A_177 : i1 to i32
    %sign3A_179 = arith.subi %sign3A_175, %sign3A_178 : i32
    %ne3A_180 = arith.cmpi ne, %sign3A_172, %sign3A_179 : i32
    %rem3A_181 = arith.remsi %add3A_163, %jit3A_164 : i32
    %ne3A_182 = arith.constant 0 : i32
    %ne3A_183 = arith.cmpi ne, %rem3A_181, %ne3A_182 : i32
    %and3A_184 = arith.andi %ne3A_180, %ne3A_183 : i1
    %sub3A_185 = arith.constant 1 : i32
    %sub3A_186 = arith.subi %div3A_165, %sub3A_185 : i32
    %select_n3A_187 = arith.select %and3A_184, %sub3A_186, %div3A_165 : i32
    %mul3A_188 = arith.constant 512 : i32
    %mul3A_189 = arith.muli %select_n3A_30, %mul3A_188 : i32
    %scan3A_190 = arith.constant 0 : i32
    %scan3A_191 = arith.constant 0 : i32
    %scan3A_192 = arith.constant 32 : i32
    %scan3A_193 = arith.addi %scan3A_191, %scan3A_192 : i32
    %scan3A_194 = arith.constant 1 : i32
    %scan3A_195 = scf.for %scan3A_198 = %scan3A_191 to %scan3A_193 step %scan3A_194 iter_args(%scan3A_199 = %scan3A_190) -> (i32)  : i32 {
      %mul3A_200 = arith.constant 16 : i32
      %mul3A_201 = arith.muli %scan3A_198, %mul3A_200 : i32
      %add3A_202 = arith.addi %mul3A_189, %mul3A_201 : i32
      %get3A = arith.index_cast %add3A_202 : i32 to index
      %get3A_203 = tpu.vector_load %arg14[%get3A] {strides = array<i32>} : memref<4096xf32, #tpu.memory_space<vmem>>, vector<16xf32>,
      %get3A_204 = arith.index_cast %add3A_202 : i32 to index
      %get3A_205 = tpu.vector_load %arg15[%get3A_204] {strides = array<i32>} : memref<4096xf32, #tpu.memory_space<vmem>>, vector<16xf32>,
      %get3A_206 = arith.index_cast %add3A_202 : i32 to index
      %get3A_207 = tpu.vector_load %arg16[%get3A_206] {strides = array<i32>} : memref<4096xf32, #tpu.memory_space<vmem>>, vector<16xf32>,
      %broadcast_in_dim3A_208 = arith.constant 1.000000e+10 : f32
      %broadcast_in_dim3A_209 = vector.broadcast %broadcast_in_dim3A_208 : f32 to vector<16xf32>
      %while3A_210 = arith.constant 0 : i32
      %while3A_211 = arith.subi %select_n3A_187, %while3A_210 : i32
      %while3A_212 = arith.addi %while3A_210, %while3A_211 : i32
      %while3A_213 = arith.constant 1 : i32
      %while3A_214 = arith.divsi %while3A_211, %while3A_213 : i32
      %while3A_215 = arith.muli %while3A_214, %while3A_213 : i32
      %while3A_216 = arith.addi %while3A_210, %while3A_215 : i32
      %while3A_217 = arith.constant 1 : i32
      %while3A_218 = scf.for %while3A_224 = %while3A_210 to %while3A_216 step %while3A_217 iter_args(%while3A_225 = %broadcast_in_dim3A_209) -> (vector<16xf32>)  : i32 {
        %mul3A_226 = arith.constant 8 : i32
        %mul3A_227 = arith.muli %while3A_224, %mul3A_226 : i32
        %add3A_228 = arith.constant 0 : i32
        %add3A_229 = arith.addi %mul3A_227, %add3A_228 : i32
        %broadcast_in_dim3A_230 = vector.broadcast %add3A_229 : i32 to vector<16xi32>
        %gather3A = tpu.vector_load_idx %arg18[%broadcast_in_dim3A_230] : memref<800xf32, #tpu.memory_space<vmem>>[vector<16xi32>], vector<16xf32>,
        %gather3A_231 = tpu.vector_load_idx %arg19[%broadcast_in_dim3A_230] : memref<800xf32, #tpu.memory_space<vmem>>[vector<16xi32>], vector<16xf32>,
        %gather3A_232 = tpu.vector_load_idx %arg20[%broadcast_in_dim3A_230] : memref<800xf32, #tpu.memory_space<vmem>>[vector<16xi32>], vector<16xf32>,
        %sub3A_233 = arith.subf %get3A_203, %gather3A : vector<16xf32>
        %sub3A_234 = arith.subf %get3A_205, %gather3A_231 : vector<16xf32>
        %sub3A_235 = arith.subf %get3A_207, %gather3A_232 : vector<16xf32>
        %mul3A_236 = arith.mulf %sub3A_233, %sub3A_233 : vector<16xf32>
        %mul3A_237 = arith.mulf %sub3A_234, %sub3A_234 : vector<16xf32>
        %add3A_238 = arith.addf %mul3A_236, %mul3A_237 : vector<16xf32>
        %mul3A_239 = arith.mulf %sub3A_235, %sub3A_235 : vector<16xf32>
        %add3A_240 = arith.addf %add3A_238, %mul3A_239 : vector<16xf32>
        %min3A_241 = arith.minimumf %while3A_225, %add3A_240 : vector<16xf32>
        %add3A_242 = arith.constant 1 : i32
        %add3A_243 = arith.addi %mul3A_227, %add3A_242 : i32
        %broadcast_in_dim3A_244 = vector.broadcast %add3A_243 : i32 to vector<16xi32>
        %gather3A_245 = tpu.vector_load_idx %arg18[%broadcast_in_dim3A_244] : memref<800xf32, #tpu.memory_space<vmem>>[vector<16xi32>], vector<16xf32>,
        %gather3A_246 = tpu.vector_load_idx %arg19[%broadcast_in_dim3A_244] : memref<800xf32, #tpu.memory_space<vmem>>[vector<16xi32>], vector<16xf32>,
        %gather3A_247 = tpu.vector_load_idx %arg20[%broadcast_in_dim3A_244] : memref<800xf32, #tpu.memory_space<vmem>>[vector<16xi32>], vector<16xf32>,
        %sub3A_248 = arith.subf %get3A_203, %gather3A_245 : vector<16xf32>
        %sub3A_249 = arith.subf %get3A_205, %gather3A_246 : vector<16xf32>
        %sub3A_250 = arith.subf %get3A_207, %gather3A_247 : vector<16xf32>
        %mul3A_251 = arith.mulf %sub3A_248, %sub3A_248 : vector<16xf32>
        %mul3A_252 = arith.mulf %sub3A_249, %sub3A_249 : vector<16xf32>
        %add3A_253 = arith.addf %mul3A_251, %mul3A_252 : vector<16xf32>
        %mul3A_254 = arith.mulf %sub3A_250, %sub3A_250 : vector<16xf32>
        %add3A_255 = arith.addf %add3A_253, %mul3A_254 : vector<16xf32>
        %min3A_256 = arith.minimumf %min3A_241, %add3A_255 : vector<16xf32>
        %add3A_257 = arith.constant 2 : i32
        %add3A_258 = arith.addi %mul3A_227, %add3A_257 : i32
        %broadcast_in_dim3A_259 = vector.broadcast %add3A_258 : i32 to vector<16xi32>
        %gather3A_260 = tpu.vector_load_idx %arg18[%broadcast_in_dim3A_259] : memref<800xf32, #tpu.memory_space<vmem>>[vector<16xi32>], vector<16xf32>,
        %gather3A_261 = tpu.vector_load_idx %arg19[%broadcast_in_dim3A_259] : memref<800xf32, #tpu.memory_space<vmem>>[vector<16xi32>], vector<16xf32>,
        %gather3A_262 = tpu.vector_load_idx %arg20[%broadcast_in_dim3A_259] : memref<800xf32, #tpu.memory_space<vmem>>[vector<16xi32>], vector<16xf32>,
        %sub3A_263 = arith.subf %get3A_203, %gather3A_260 : vector<16xf32>
        %sub3A_264 = arith.subf %get3A_205, %gather3A_261 : vector<16xf32>
        %sub3A_265 = arith.subf %get3A_207, %gather3A_262 : vector<16xf32>
        %mul3A_266 = arith.mulf %sub3A_263, %sub3A_263 : vector<16xf32>
        %mul3A_267 = arith.mulf %sub3A_264, %sub3A_264 : vector<16xf32>
        %add3A_268 = arith.addf %mul3A_266, %mul3A_267 : vector<16xf32>
        %mul3A_269 = arith.mulf %sub3A_265, %sub3A_265 : vector<16xf32>
        %add3A_270 = arith.addf %add3A_268, %mul3A_269 : vector<16xf32>
        %min3A_271 = arith.minimumf %min3A_256, %add3A_270 : vector<16xf32>
        %add3A_272 = arith.constant 3 : i32
        %add3A_273 = arith.addi %mul3A_227, %add3A_272 : i32
        %broadcast_in_dim3A_274 = vector.broadcast %add3A_273 : i32 to vector<16xi32>
        %gather3A_275 = tpu.vector_load_idx %arg18[%broadcast_in_dim3A_274] : memref<800xf32, #tpu.memory_space<vmem>>[vector<16xi32>], vector<16xf32>,
        %gather3A_276 = tpu.vector_load_idx %arg19[%broadcast_in_dim3A_274] : memref<800xf32, #tpu.memory_space<vmem>>[vector<16xi32>], vector<16xf32>,
        %gather3A_277 = tpu.vector_load_idx %arg20[%broadcast_in_dim3A_274] : memref<800xf32, #tpu.memory_space<vmem>>[vector<16xi32>], vector<16xf32>,
        %sub3A_278 = arith.subf %get3A_203, %gather3A_275 : vector<16xf32>
        %sub3A_279 = arith.subf %get3A_205, %gather3A_276 : vector<16xf32>
        %sub3A_280 = arith.subf %get3A_207, %gather3A_277 : vector<16xf32>
        %mul3A_281 = arith.mulf %sub3A_278, %sub3A_278 : vector<16xf32>
        %mul3A_282 = arith.mulf %sub3A_279, %sub3A_279 : vector<16xf32>
        %add3A_283 = arith.addf %mul3A_281, %mul3A_282 : vector<16xf32>
        %mul3A_284 = arith.mulf %sub3A_280, %sub3A_280 : vector<16xf32>
        %add3A_285 = arith.addf %add3A_283, %mul3A_284 : vector<16xf32>
        %min3A_286 = arith.minimumf %min3A_271, %add3A_285 : vector<16xf32>
        %add3A_287 = arith.constant 4 : i32
        %add3A_288 = arith.addi %mul3A_227, %add3A_287 : i32
        %broadcast_in_dim3A_289 = vector.broadcast %add3A_288 : i32 to vector<16xi32>
        %gather3A_290 = tpu.vector_load_idx %arg18[%broadcast_in_dim3A_289] : memref<800xf32, #tpu.memory_space<vmem>>[vector<16xi32>], vector<16xf32>,
        %gather3A_291 = tpu.vector_load_idx %arg19[%broadcast_in_dim3A_289] : memref<800xf32, #tpu.memory_space<vmem>>[vector<16xi32>], vector<16xf32>,
        %gather3A_292 = tpu.vector_load_idx %arg20[%broadcast_in_dim3A_289] : memref<800xf32, #tpu.memory_space<vmem>>[vector<16xi32>], vector<16xf32>,
        %sub3A_293 = arith.subf %get3A_203, %gather3A_290 : vector<16xf32>
        %sub3A_294 = arith.subf %get3A_205, %gather3A_291 : vector<16xf32>
        %sub3A_295 = arith.subf %get3A_207, %gather3A_292 : vector<16xf32>
        %mul3A_296 = arith.mulf %sub3A_293, %sub3A_293 : vector<16xf32>
        %mul3A_297 = arith.mulf %sub3A_294, %sub3A_294 : vector<16xf32>
        %add3A_298 = arith.addf %mul3A_296, %mul3A_297 : vector<16xf32>
        %mul3A_299 = arith.mulf %sub3A_295, %sub3A_295 : vector<16xf32>
        %add3A_300 = arith.addf %add3A_298, %mul3A_299 : vector<16xf32>
        %min3A_301 = arith.minimumf %min3A_286, %add3A_300 : vector<16xf32>
        %add3A_302 = arith.constant 5 : i32
        %add3A_303 = arith.addi %mul3A_227, %add3A_302 : i32
        %broadcast_in_dim3A_304 = vector.broadcast %add3A_303 : i32 to vector<16xi32>
        %gather3A_305 = tpu.vector_load_idx %arg18[%broadcast_in_dim3A_304] : memref<800xf32, #tpu.memory_space<vmem>>[vector<16xi32>], vector<16xf32>,
        %gather3A_306 = tpu.vector_load_idx %arg19[%broadcast_in_dim3A_304] : memref<800xf32, #tpu.memory_space<vmem>>[vector<16xi32>], vector<16xf32>,
        %gather3A_307 = tpu.vector_load_idx %arg20[%broadcast_in_dim3A_304] : memref<800xf32, #tpu.memory_space<vmem>>[vector<16xi32>], vector<16xf32>,
        %sub3A_308 = arith.subf %get3A_203, %gather3A_305 : vector<16xf32>
        %sub3A_309 = arith.subf %get3A_205, %gather3A_306 : vector<16xf32>
        %sub3A_310 = arith.subf %get3A_207, %gather3A_307 : vector<16xf32>
        %mul3A_311 = arith.mulf %sub3A_308, %sub3A_308 : vector<16xf32>
        %mul3A_312 = arith.mulf %sub3A_309, %sub3A_309 : vector<16xf32>
        %add3A_313 = arith.addf %mul3A_311, %mul3A_312 : vector<16xf32>
        %mul3A_314 = arith.mulf %sub3A_310, %sub3A_310 : vector<16xf32>
        %add3A_315 = arith.addf %add3A_313, %mul3A_314 : vector<16xf32>
        %min3A_316 = arith.minimumf %min3A_301, %add3A_315 : vector<16xf32>
        %add3A_317 = arith.constant 6 : i32
        %add3A_318 = arith.addi %mul3A_227, %add3A_317 : i32
        %broadcast_in_dim3A_319 = vector.broadcast %add3A_318 : i32 to vector<16xi32>
        %gather3A_320 = tpu.vector_load_idx %arg18[%broadcast_in_dim3A_319] : memref<800xf32, #tpu.memory_space<vmem>>[vector<16xi32>], vector<16xf32>,
        %gather3A_321 = tpu.vector_load_idx %arg19[%broadcast_in_dim3A_319] : memref<800xf32, #tpu.memory_space<vmem>>[vector<16xi32>], vector<16xf32>,
        %gather3A_322 = tpu.vector_load_idx %arg20[%broadcast_in_dim3A_319] : memref<800xf32, #tpu.memory_space<vmem>>[vector<16xi32>], vector<16xf32>,
        %sub3A_323 = arith.subf %get3A_203, %gather3A_320 : vector<16xf32>
        %sub3A_324 = arith.subf %get3A_205, %gather3A_321 : vector<16xf32>
        %sub3A_325 = arith.subf %get3A_207, %gather3A_322 : vector<16xf32>
        %mul3A_326 = arith.mulf %sub3A_323, %sub3A_323 : vector<16xf32>
        %mul3A_327 = arith.mulf %sub3A_324, %sub3A_324 : vector<16xf32>
        %add3A_328 = arith.addf %mul3A_326, %mul3A_327 : vector<16xf32>
        %mul3A_329 = arith.mulf %sub3A_325, %sub3A_325 : vector<16xf32>
        %add3A_330 = arith.addf %add3A_328, %mul3A_329 : vector<16xf32>
        %min3A_331 = arith.minimumf %min3A_316, %add3A_330 : vector<16xf32>
        %add3A_332 = arith.constant 7 : i32
        %add3A_333 = arith.addi %mul3A_227, %add3A_332 : i32
        %broadcast_in_dim3A_334 = vector.broadcast %add3A_333 : i32 to vector<16xi32>
        %gather3A_335 = tpu.vector_load_idx %arg18[%broadcast_in_dim3A_334] : memref<800xf32, #tpu.memory_space<vmem>>[vector<16xi32>], vector<16xf32>,
        %gather3A_336 = tpu.vector_load_idx %arg19[%broadcast_in_dim3A_334] : memref<800xf32, #tpu.memory_space<vmem>>[vector<16xi32>], vector<16xf32>,
        %gather3A_337 = tpu.vector_load_idx %arg20[%broadcast_in_dim3A_334] : memref<800xf32, #tpu.memory_space<vmem>>[vector<16xi32>], vector<16xf32>,
        %sub3A_338 = arith.subf %get3A_203, %gather3A_335 : vector<16xf32>
        %sub3A_339 = arith.subf %get3A_205, %gather3A_336 : vector<16xf32>
        %sub3A_340 = arith.subf %get3A_207, %gather3A_337 : vector<16xf32>
        %mul3A_341 = arith.mulf %sub3A_338, %sub3A_338 : vector<16xf32>
        %mul3A_342 = arith.mulf %sub3A_339, %sub3A_339 : vector<16xf32>
        %add3A_343 = arith.addf %mul3A_341, %mul3A_342 : vector<16xf32>
        %mul3A_344 = arith.mulf %sub3A_340, %sub3A_340 : vector<16xf32>
        %add3A_345 = arith.addf %add3A_343, %mul3A_344 : vector<16xf32>
        %min3A_346 = arith.minimumf %min3A_331, %add3A_345 : vector<16xf32>
        scf.yield %min3A_346 : vector<16xf32>
      }
      %while3A_219 = arith.constant 1 : i32
      %while3A_220 = scf.for %while3A_224 = %while3A_216 to %while3A_212 step %while3A_219 iter_args(%while3A_225 = %while3A_218) -> (vector<16xf32>)  : i32 {
        %mul3A_226 = arith.constant 8 : i32
        %mul3A_227 = arith.muli %while3A_224, %mul3A_226 : i32
        %add3A_228 = arith.constant 0 : i32
        %add3A_229 = arith.addi %mul3A_227, %add3A_228 : i32
        %broadcast_in_dim3A_230 = vector.broadcast %add3A_229 : i32 to vector<16xi32>
        %gather3A = tpu.vector_load_idx %arg18[%broadcast_in_dim3A_230] : memref<800xf32, #tpu.memory_space<vmem>>[vector<16xi32>], vector<16xf32>,
        %gather3A_231 = tpu.vector_load_idx %arg19[%broadcast_in_dim3A_230] : memref<800xf32, #tpu.memory_space<vmem>>[vector<16xi32>], vector<16xf32>,
        %gather3A_232 = tpu.vector_load_idx %arg20[%broadcast_in_dim3A_230] : memref<800xf32, #tpu.memory_space<vmem>>[vector<16xi32>], vector<16xf32>,
        %sub3A_233 = arith.subf %get3A_203, %gather3A : vector<16xf32>
        %sub3A_234 = arith.subf %get3A_205, %gather3A_231 : vector<16xf32>
        %sub3A_235 = arith.subf %get3A_207, %gather3A_232 : vector<16xf32>
        %mul3A_236 = arith.mulf %sub3A_233, %sub3A_233 : vector<16xf32>
        %mul3A_237 = arith.mulf %sub3A_234, %sub3A_234 : vector<16xf32>
        %add3A_238 = arith.addf %mul3A_236, %mul3A_237 : vector<16xf32>
        %mul3A_239 = arith.mulf %sub3A_235, %sub3A_235 : vector<16xf32>
        %add3A_240 = arith.addf %add3A_238, %mul3A_239 : vector<16xf32>
        %min3A_241 = arith.minimumf %while3A_225, %add3A_240 : vector<16xf32>
        %add3A_242 = arith.constant 1 : i32
        %add3A_243 = arith.addi %mul3A_227, %add3A_242 : i32
        %broadcast_in_dim3A_244 = vector.broadcast %add3A_243 : i32 to vector<16xi32>
        %gather3A_245 = tpu.vector_load_idx %arg18[%broadcast_in_dim3A_244] : memref<800xf32, #tpu.memory_space<vmem>>[vector<16xi32>], vector<16xf32>,
        %gather3A_246 = tpu.vector_load_idx %arg19[%broadcast_in_dim3A_244] : memref<800xf32, #tpu.memory_space<vmem>>[vector<16xi32>], vector<16xf32>,
        %gather3A_247 = tpu.vector_load_idx %arg20[%broadcast_in_dim3A_244] : memref<800xf32, #tpu.memory_space<vmem>>[vector<16xi32>], vector<16xf32>,
        %sub3A_248 = arith.subf %get3A_203, %gather3A_245 : vector<16xf32>
        %sub3A_249 = arith.subf %get3A_205, %gather3A_246 : vector<16xf32>
        %sub3A_250 = arith.subf %get3A_207, %gather3A_247 : vector<16xf32>
        %mul3A_251 = arith.mulf %sub3A_248, %sub3A_248 : vector<16xf32>
        %mul3A_252 = arith.mulf %sub3A_249, %sub3A_249 : vector<16xf32>
        %add3A_253 = arith.addf %mul3A_251, %mul3A_252 : vector<16xf32>
        %mul3A_254 = arith.mulf %sub3A_250, %sub3A_250 : vector<16xf32>
        %add3A_255 = arith.addf %add3A_253, %mul3A_254 : vector<16xf32>
        %min3A_256 = arith.minimumf %min3A_241, %add3A_255 : vector<16xf32>
        %add3A_257 = arith.constant 2 : i32
        %add3A_258 = arith.addi %mul3A_227, %add3A_257 : i32
        %broadcast_in_dim3A_259 = vector.broadcast %add3A_258 : i32 to vector<16xi32>
        %gather3A_260 = tpu.vector_load_idx %arg18[%broadcast_in_dim3A_259] : memref<800xf32, #tpu.memory_space<vmem>>[vector<16xi32>], vector<16xf32>,
        %gather3A_261 = tpu.vector_load_idx %arg19[%broadcast_in_dim3A_259] : memref<800xf32, #tpu.memory_space<vmem>>[vector<16xi32>], vector<16xf32>,
        %gather3A_262 = tpu.vector_load_idx %arg20[%broadcast_in_dim3A_259] : memref<800xf32, #tpu.memory_space<vmem>>[vector<16xi32>], vector<16xf32>,
        %sub3A_263 = arith.subf %get3A_203, %gather3A_260 : vector<16xf32>
        %sub3A_264 = arith.subf %get3A_205, %gather3A_261 : vector<16xf32>
        %sub3A_265 = arith.subf %get3A_207, %gather3A_262 : vector<16xf32>
        %mul3A_266 = arith.mulf %sub3A_263, %sub3A_263 : vector<16xf32>
        %mul3A_267 = arith.mulf %sub3A_264, %sub3A_264 : vector<16xf32>
        %add3A_268 = arith.addf %mul3A_266, %mul3A_267 : vector<16xf32>
        %mul3A_269 = arith.mulf %sub3A_265, %sub3A_265 : vector<16xf32>
        %add3A_270 = arith.addf %add3A_268, %mul3A_269 : vector<16xf32>
        %min3A_271 = arith.minimumf %min3A_256, %add3A_270 : vector<16xf32>
        %add3A_272 = arith.constant 3 : i32
        %add3A_273 = arith.addi %mul3A_227, %add3A_272 : i32
        %broadcast_in_dim3A_274 = vector.broadcast %add3A_273 : i32 to vector<16xi32>
        %gather3A_275 = tpu.vector_load_idx %arg18[%broadcast_in_dim3A_274] : memref<800xf32, #tpu.memory_space<vmem>>[vector<16xi32>], vector<16xf32>,
        %gather3A_276 = tpu.vector_load_idx %arg19[%broadcast_in_dim3A_274] : memref<800xf32, #tpu.memory_space<vmem>>[vector<16xi32>], vector<16xf32>,
        %gather3A_277 = tpu.vector_load_idx %arg20[%broadcast_in_dim3A_274] : memref<800xf32, #tpu.memory_space<vmem>>[vector<16xi32>], vector<16xf32>,
        %sub3A_278 = arith.subf %get3A_203, %gather3A_275 : vector<16xf32>
        %sub3A_279 = arith.subf %get3A_205, %gather3A_276 : vector<16xf32>
        %sub3A_280 = arith.subf %get3A_207, %gather3A_277 : vector<16xf32>
        %mul3A_281 = arith.mulf %sub3A_278, %sub3A_278 : vector<16xf32>
        %mul3A_282 = arith.mulf %sub3A_279, %sub3A_279 : vector<16xf32>
        %add3A_283 = arith.addf %mul3A_281, %mul3A_282 : vector<16xf32>
        %mul3A_284 = arith.mulf %sub3A_280, %sub3A_280 : vector<16xf32>
        %add3A_285 = arith.addf %add3A_283, %mul3A_284 : vector<16xf32>
        %min3A_286 = arith.minimumf %min3A_271, %add3A_285 : vector<16xf32>
        %add3A_287 = arith.constant 4 : i32
        %add3A_288 = arith.addi %mul3A_227, %add3A_287 : i32
        %broadcast_in_dim3A_289 = vector.broadcast %add3A_288 : i32 to vector<16xi32>
        %gather3A_290 = tpu.vector_load_idx %arg18[%broadcast_in_dim3A_289] : memref<800xf32, #tpu.memory_space<vmem>>[vector<16xi32>], vector<16xf32>,
        %gather3A_291 = tpu.vector_load_idx %arg19[%broadcast_in_dim3A_289] : memref<800xf32, #tpu.memory_space<vmem>>[vector<16xi32>], vector<16xf32>,
        %gather3A_292 = tpu.vector_load_idx %arg20[%broadcast_in_dim3A_289] : memref<800xf32, #tpu.memory_space<vmem>>[vector<16xi32>], vector<16xf32>,
        %sub3A_293 = arith.subf %get3A_203, %gather3A_290 : vector<16xf32>
        %sub3A_294 = arith.subf %get3A_205, %gather3A_291 : vector<16xf32>
        %sub3A_295 = arith.subf %get3A_207, %gather3A_292 : vector<16xf32>
        %mul3A_296 = arith.mulf %sub3A_293, %sub3A_293 : vector<16xf32>
        %mul3A_297 = arith.mulf %sub3A_294, %sub3A_294 : vector<16xf32>
        %add3A_298 = arith.addf %mul3A_296, %mul3A_297 : vector<16xf32>
        %mul3A_299 = arith.mulf %sub3A_295, %sub3A_295 : vector<16xf32>
        %add3A_300 = arith.addf %add3A_298, %mul3A_299 : vector<16xf32>
        %min3A_301 = arith.minimumf %min3A_286, %add3A_300 : vector<16xf32>
        %add3A_302 = arith.constant 5 : i32
        %add3A_303 = arith.addi %mul3A_227, %add3A_302 : i32
        %broadcast_in_dim3A_304 = vector.broadcast %add3A_303 : i32 to vector<16xi32>
        %gather3A_305 = tpu.vector_load_idx %arg18[%broadcast_in_dim3A_304] : memref<800xf32, #tpu.memory_space<vmem>>[vector<16xi32>], vector<16xf32>,
        %gather3A_306 = tpu.vector_load_idx %arg19[%broadcast_in_dim3A_304] : memref<800xf32, #tpu.memory_space<vmem>>[vector<16xi32>], vector<16xf32>,
        %gather3A_307 = tpu.vector_load_idx %arg20[%broadcast_in_dim3A_304] : memref<800xf32, #tpu.memory_space<vmem>>[vector<16xi32>], vector<16xf32>,
        %sub3A_308 = arith.subf %get3A_203, %gather3A_305 : vector<16xf32>
        %sub3A_309 = arith.subf %get3A_205, %gather3A_306 : vector<16xf32>
        %sub3A_310 = arith.subf %get3A_207, %gather3A_307 : vector<16xf32>
        %mul3A_311 = arith.mulf %sub3A_308, %sub3A_308 : vector<16xf32>
        %mul3A_312 = arith.mulf %sub3A_309, %sub3A_309 : vector<16xf32>
        %add3A_313 = arith.addf %mul3A_311, %mul3A_312 : vector<16xf32>
        %mul3A_314 = arith.mulf %sub3A_310, %sub3A_310 : vector<16xf32>
        %add3A_315 = arith.addf %add3A_313, %mul3A_314 : vector<16xf32>
        %min3A_316 = arith.minimumf %min3A_301, %add3A_315 : vector<16xf32>
        %add3A_317 = arith.constant 6 : i32
        %add3A_318 = arith.addi %mul3A_227, %add3A_317 : i32
        %broadcast_in_dim3A_319 = vector.broadcast %add3A_318 : i32 to vector<16xi32>
        %gather3A_320 = tpu.vector_load_idx %arg18[%broadcast_in_dim3A_319] : memref<800xf32, #tpu.memory_space<vmem>>[vector<16xi32>], vector<16xf32>,
        %gather3A_321 = tpu.vector_load_idx %arg19[%broadcast_in_dim3A_319] : memref<800xf32, #tpu.memory_space<vmem>>[vector<16xi32>], vector<16xf32>,
        %gather3A_322 = tpu.vector_load_idx %arg20[%broadcast_in_dim3A_319] : memref<800xf32, #tpu.memory_space<vmem>>[vector<16xi32>], vector<16xf32>,
        %sub3A_323 = arith.subf %get3A_203, %gather3A_320 : vector<16xf32>
        %sub3A_324 = arith.subf %get3A_205, %gather3A_321 : vector<16xf32>
        %sub3A_325 = arith.subf %get3A_207, %gather3A_322 : vector<16xf32>
        %mul3A_326 = arith.mulf %sub3A_323, %sub3A_323 : vector<16xf32>
        %mul3A_327 = arith.mulf %sub3A_324, %sub3A_324 : vector<16xf32>
        %add3A_328 = arith.addf %mul3A_326, %mul3A_327 : vector<16xf32>
        %mul3A_329 = arith.mulf %sub3A_325, %sub3A_325 : vector<16xf32>
        %add3A_330 = arith.addf %add3A_328, %mul3A_329 : vector<16xf32>
        %min3A_331 = arith.minimumf %min3A_316, %add3A_330 : vector<16xf32>
        %add3A_332 = arith.constant 7 : i32
        %add3A_333 = arith.addi %mul3A_227, %add3A_332 : i32
        %broadcast_in_dim3A_334 = vector.broadcast %add3A_333 : i32 to vector<16xi32>
        %gather3A_335 = tpu.vector_load_idx %arg18[%broadcast_in_dim3A_334] : memref<800xf32, #tpu.memory_space<vmem>>[vector<16xi32>], vector<16xf32>,
        %gather3A_336 = tpu.vector_load_idx %arg19[%broadcast_in_dim3A_334] : memref<800xf32, #tpu.memory_space<vmem>>[vector<16xi32>], vector<16xf32>,
        %gather3A_337 = tpu.vector_load_idx %arg20[%broadcast_in_dim3A_334] : memref<800xf32, #tpu.memory_space<vmem>>[vector<16xi32>], vector<16xf32>,
        %sub3A_338 = arith.subf %get3A_203, %gather3A_335 : vector<16xf32>
        %sub3A_339 = arith.subf %get3A_205, %gather3A_336 : vector<16xf32>
        %sub3A_340 = arith.subf %get3A_207, %gather3A_337 : vector<16xf32>
        %mul3A_341 = arith.mulf %sub3A_338, %sub3A_338 : vector<16xf32>
        %mul3A_342 = arith.mulf %sub3A_339, %sub3A_339 : vector<16xf32>
        %add3A_343 = arith.addf %mul3A_341, %mul3A_342 : vector<16xf32>
        %mul3A_344 = arith.mulf %sub3A_340, %sub3A_340 : vector<16xf32>
        %add3A_345 = arith.addf %add3A_343, %mul3A_344 : vector<16xf32>
        %min3A_346 = arith.minimumf %min3A_331, %add3A_345 : vector<16xf32>
        scf.yield %min3A_346 : vector<16xf32>
      }
      %swap3A_221 = arith.index_cast %mul3A_201 : i32 to index
      %swap3A_222 = tpu.vector_load %arg25[%swap3A_221] {strides = array<i32>} : memref<512xf32, #tpu.memory_space<vmem>>, vector<16xf32>,
      tpu.vector_store %arg25[%swap3A_221], %while3A_220 {strides = array<i32>} : memref<512xf32, #tpu.memory_space<vmem>>, vector<16xf32>,
      %scan3A_223 = arith.constant 0 : i32
      scf.yield %scan3A_223 : i32
    }
    %scan3A_196 = arith.constant 32 : i32
    %add3A_197 = arith.addi %mul3A_32, %mul3A_189 : i32
    "tpu.region"() ({
      %run_scoped3A = tpu.sem_alloc : memref<!tpu.dma_semaphore, #tpu.memory_space<semaphore_mem>>
      %dma_start3A = tpu.memref_slice %arg10[%add3A_197] : memref<16384xf32, #tpu.memory_space<hbm>> -> memref<512xf32, #tpu.memory_space<hbm>>
      %dma_start3A_198 = tpu.memref_slice %arg10[%add3A_197] : memref<16384xf32, #tpu.memory_space<hbm>> -> memref<512xf32, #tpu.memory_space<hbm>>
      tpu.enqueue_dma source(%arg25 : memref<512xf32, #tpu.memory_space<vmem>>) target(%dma_start3A_198 : memref<512xf32, #tpu.memory_space<hbm>>) target_semaphore(%run_scoped3A : memref<!tpu.dma_semaphore, #tpu.memory_space<semaphore_mem>>)
      %dma_wait3A = tpu.memref_slice %arg10[%add3A_197] : memref<16384xf32, #tpu.memory_space<hbm>> -> memref<512xf32, #tpu.memory_space<hbm>>
      %dma_wait3A_199 = tpu.memref_slice %arg10[%add3A_197] : memref<16384xf32, #tpu.memory_space<hbm>> -> memref<512xf32, #tpu.memory_space<hbm>>
      tpu.wait_dma2 semaphore(%run_scoped3A : memref<!tpu.dma_semaphore, #tpu.memory_space<semaphore_mem>>) src(%arg25 : memref<512xf32, #tpu.memory_space<vmem>>) dst(%dma_wait3A_199 : memref<512xf32, #tpu.memory_space<hbm>>)
      tpu.yield
    }) : () -> ()
    return
  }
}

module attributes {stable_mosaic.version = 14 : i64} {
  func.func @body(%arg0: i32, %arg1: i32, %arg2: memref<1x1x256xf32, #tpu.memory_space<vmem>>, %arg3: memref<1x1x256xf32, #tpu.memory_space<vmem>>, %arg4: memref<1x1x256xf32, #tpu.memory_space<vmem>>, %arg5: memref<1x1x256xi32, #tpu.memory_space<vmem>>, %arg6: memref<1x3x4096xf32, #tpu.memory_space<vmem>>, %arg7: memref<1x1x4096xi32, #tpu.memory_space<vmem>>, %arg8: memref<1x1xf32, #tpu.memory_space<smem>>, %arg9: memref<4096xf32, #tpu.memory_space<vmem>>, %arg10: memref<1x4096xf32, #tpu.memory_space<vmem>>, %arg11: memref<1x1xf32, #tpu.memory_space<smem>>) attributes {dimension_semantics = [#tpu.dimension_semantics<arbitrary>, #tpu.dimension_semantics<arbitrary>], iteration_bounds = array<i64: 4, 13>, scalar_prefetch = 0 : i64, scratch_operands = 2 : i64, tpu.core_type = #tpu.core_type<tc>, window_params = [{transform_indices = @transform_0, window_bounds = array<i64: 1, 1, 256>}, {transform_indices = @transform_1, window_bounds = array<i64: 1, 1, 256>}, {transform_indices = @transform_2, window_bounds = array<i64: 1, 1, 256>}, {transform_indices = @transform_3, window_bounds = array<i64: 1, 1, 256>}, {transform_indices = @transform_4, window_bounds = array<i64: 1, 3, 4096>}, {transform_indices = @transform_5, window_bounds = array<i64: 1, 1, 4096>}, {transform_indices = @transform_6, window_bounds = array<i64: 1, 1>}, {transform_indices = @transform_7, window_bounds = array<i64: 4096>}]} {
    %eq3A = arith.constant 0 : i32
    %eq3A_0 = arith.cmpi eq, %arg0, %eq3A : i32
    %eq3A_1 = arith.constant 0 : i32
    %eq3A_2 = arith.cmpi eq, %arg1, %eq3A_1 : i32
    %and3A = arith.andi %eq3A_0, %eq3A_2 : i1
    %convert_element_type3A = arith.extui %and3A : i1 to i32
    %cond3A = arith.constant 0 : i32
    %cond3A_3 = arith.cmpi ne, %convert_element_type3A, %cond3A : i32
    scf.if %cond3A_3 {
      %swap3A_142 = arith.constant 0.000000e+00 : f32
      %swap3A_143 = arith.constant 0 : index
      %swap3A_144 = arith.constant 0 : index
      %swap3A_145 = memref.load %arg11[%swap3A_143, %swap3A_144] : memref<1x1xf32, #tpu.memory_space<smem>>
      memref.store %swap3A_142, %arg11[%swap3A_143, %swap3A_144] : memref<1x1xf32, #tpu.memory_space<smem>>
    } else {
    }
    %eq3A_4 = arith.constant 0 : i32
    %eq3A_5 = arith.cmpi eq, %arg1, %eq3A_4 : i32
    %convert_element_type3A_6 = arith.extui %eq3A_5 : i1 to i32
    %cond3A_7 = arith.constant 0 : i32
    %cond3A_8 = arith.cmpi ne, %convert_element_type3A_6, %cond3A_7 : i32
    scf.if %cond3A_8 {
      %broadcast_in_dim3A_142 = arith.constant 1.000000e+10 : f32
      %broadcast_in_dim3A_143 = vector.broadcast %broadcast_in_dim3A_142 : f32 to vector<1x4096xf32>
      %swap3A_144 = arith.constant 0 : index
      %swap3A_145 = arith.constant 0 : index
      %swap3A_146 = vector.load %arg10[%swap3A_144, %swap3A_145] : memref<1x4096xf32, #tpu.memory_space<vmem>>, vector<1x4096xf32>
      tpu.vector_store %arg10[%swap3A_144, %swap3A_145], %broadcast_in_dim3A_143 {strides = array<i32>} : memref<1x4096xf32, #tpu.memory_space<vmem>>, vector<1x4096xf32>,
    } else {
    }
    %get3A = arith.constant 0 : index
    %get3A_9 = arith.constant 0 : index
    %get3A_10 = arith.constant 0 : index
    %get3A_11 = vector.load %arg2[%get3A, %get3A_9, %get3A_10] : memref<1x1x256xf32, #tpu.memory_space<vmem>>, vector<1x1x256xf32>
    %get3A_12 = vector.shape_cast %get3A_11 : vector<1x1x256xf32> to vector<1x256xf32>
    %get3A_13 = arith.constant 0 : index
    %get3A_14 = arith.constant 0 : index
    %get3A_15 = arith.constant 0 : index
    %get3A_16 = vector.load %arg3[%get3A_13, %get3A_14, %get3A_15] : memref<1x1x256xf32, #tpu.memory_space<vmem>>, vector<1x1x256xf32>
    %get3A_17 = vector.shape_cast %get3A_16 : vector<1x1x256xf32> to vector<1x256xf32>
    %mul3A = arith.mulf %get3A_17, %get3A_12 : vector<1x256xf32>
    %get3A_18 = arith.constant 0 : index
    %get3A_19 = arith.constant 0 : index
    %get3A_20 = arith.constant 0 : index
    %get3A_21 = vector.load %arg4[%get3A_18, %get3A_19, %get3A_20] : memref<1x1x256xf32, #tpu.memory_space<vmem>>, vector<1x1x256xf32>
    %get3A_22 = vector.shape_cast %get3A_21 : vector<1x1x256xf32> to vector<1x256xf32>
    %mul3A_23 = arith.mulf %get3A_22, %get3A_12 : vector<1x256xf32>
    %get3A_24 = arith.constant 0 : index
    %get3A_25 = arith.constant 0 : index
    %get3A_26 = arith.constant 0 : index
    %get3A_27 = vector.load %arg5[%get3A_24, %get3A_25, %get3A_26] : memref<1x1x256xi32, #tpu.memory_space<vmem>>, vector<1x1x256xi32>
    %get3A_28 = vector.shape_cast %get3A_27 : vector<1x1x256xi32> to vector<1x256xi32>
    %gt3A = arith.constant 0 : i32
    %gt3A_29 = vector.broadcast %gt3A : i32 to vector<1x256xi32>
    %gt3A_30 = arith.cmpi sgt, %get3A_28, %gt3A_29 : vector<1x256xi32>
    %add3A = arith.addf %mul3A, %mul3A_23 : vector<1x256xf32>
    %add3A_31 = arith.addf %add3A, %get3A_12 : vector<1x256xf32>
    %ne3A = arith.constant 0.000000e+00 : f32
    %ne3A_32 = vector.broadcast %ne3A : f32 to vector<1x256xf32>
    %ne3A_33 = arith.cmpf one, %add3A_31, %ne3A_32 : vector<1x256xf32>
    %and3A_34 = arith.andi %gt3A_30, %ne3A_33 : vector<1x256xi1>
    %jit3A = arith.constant 1.000000e+05 : f32
    %broadcast_in_dim3A = vector.broadcast %jit3A : f32 to vector<1x256xf32>
    %select_n3A = arith.select %and3A_34, %mul3A, %broadcast_in_dim3A : vector<1x256xi1>, vector<1x256xf32>
    %jit3A_35 = arith.constant 1.000000e+05 : f32
    %broadcast_in_dim3A_36 = vector.broadcast %jit3A_35 : f32 to vector<1x256xf32>
    %select_n3A_37 = arith.select %and3A_34, %mul3A_23, %broadcast_in_dim3A_36 : vector<1x256xi1>, vector<1x256xf32>
    %jit3A_38 = arith.constant 1.000000e+05 : f32
    %broadcast_in_dim3A_39 = vector.broadcast %jit3A_38 : f32 to vector<1x256xf32>
    %select_n3A_40 = arith.select %and3A_34, %get3A_12, %broadcast_in_dim3A_39 : vector<1x256xi1>, vector<1x256xf32>
    %get3A_41 = arith.constant 0 : index
    %get3A_42 = arith.constant 0 : index
    %get3A_43 = arith.constant 0 : index
    %get3A_44 = vector.load %arg6[%get3A_41, %get3A_42, %get3A_43] : memref<1x3x4096xf32, #tpu.memory_space<vmem>>, vector<1x3x4096xf32>
    %get3A_45 = vector.shape_cast %get3A_44 : vector<1x3x4096xf32> to vector<3x4096xf32>
    %slice3A = vector.extract_strided_slice %get3A_45 {offsets = [0, 0], sizes = [1, 4096], strides = [1, 1]} : vector<3x4096xf32> to vector<1x4096xf32>
    %slice3A_46 = vector.extract_strided_slice %get3A_45 {offsets = [1, 0], sizes = [1, 4096], strides = [1, 1]} : vector<3x4096xf32> to vector<1x4096xf32>
    %slice3A_47 = vector.extract_strided_slice %get3A_45 {offsets = [2, 0], sizes = [1, 4096], strides = [1, 1]} : vector<3x4096xf32> to vector<1x4096xf32>
    %get3A_48 = arith.constant 0 : index
    %get3A_49 = arith.constant 0 : index
    %get3A_50 = arith.constant 0 : index
    %get3A_51 = vector.load %arg7[%get3A_48, %get3A_49, %get3A_50] : memref<1x1x4096xi32, #tpu.memory_space<vmem>>, vector<1x1x4096xi32>
    %get3A_52 = vector.shape_cast %get3A_51 : vector<1x1x4096xi32> to vector<1x4096xi32>
    %gt3A_53 = arith.constant 0 : i32
    %gt3A_54 = vector.broadcast %gt3A_53 : i32 to vector<1x4096xi32>
    %gt3A_55 = arith.cmpi sgt, %get3A_52, %gt3A_54 : vector<1x4096xi32>
    %add3A_56 = arith.addf %slice3A, %slice3A_46 : vector<1x4096xf32>
    %add3A_57 = arith.addf %add3A_56, %slice3A_47 : vector<1x4096xf32>
    %ne3A_58 = arith.constant 0.000000e+00 : f32
    %ne3A_59 = vector.broadcast %ne3A_58 : f32 to vector<1x4096xf32>
    %ne3A_60 = arith.cmpf one, %add3A_57, %ne3A_59 : vector<1x4096xf32>
    %and3A_61 = arith.andi %gt3A_55, %ne3A_60 : vector<1x4096xi1>
    %jit3A_62 = arith.constant 1.000000e+05 : f32
    %broadcast_in_dim3A_63 = vector.broadcast %jit3A_62 : f32 to vector<1x4096xf32>
    %select_n3A_64 = arith.select %and3A_61, %slice3A, %broadcast_in_dim3A_63 : vector<1x4096xi1>, vector<1x4096xf32>
    %jit3A_65 = arith.constant 1.000000e+05 : f32
    %broadcast_in_dim3A_66 = vector.broadcast %jit3A_65 : f32 to vector<1x4096xf32>
    %select_n3A_67 = arith.select %and3A_61, %slice3A_46, %broadcast_in_dim3A_66 : vector<1x4096xi1>, vector<1x4096xf32>
    %jit3A_68 = arith.constant 1.000000e+05 : f32
    %broadcast_in_dim3A_69 = vector.broadcast %jit3A_68 : f32 to vector<1x4096xf32>
    %select_n3A_70 = arith.select %and3A_61, %slice3A_47, %broadcast_in_dim3A_69 : vector<1x4096xi1>, vector<1x4096xf32>
    %mul3A_71 = arith.mulf %select_n3A, %select_n3A : vector<1x256xf32>
    %mul3A_72 = arith.mulf %select_n3A_37, %select_n3A_37 : vector<1x256xf32>
    %add3A_73 = arith.addf %mul3A_71, %mul3A_72 : vector<1x256xf32>
    %mul3A_74 = arith.mulf %select_n3A_40, %select_n3A_40 : vector<1x256xf32>
    %add3A_75 = arith.addf %add3A_73, %mul3A_74 : vector<1x256xf32>
    %mul3A_76 = arith.mulf %select_n3A_64, %select_n3A_64 : vector<1x4096xf32>
    %mul3A_77 = arith.mulf %select_n3A_67, %select_n3A_67 : vector<1x4096xf32>
    %add3A_78 = arith.addf %mul3A_76, %mul3A_77 : vector<1x4096xf32>
    %mul3A_79 = arith.mulf %select_n3A_70, %select_n3A_70 : vector<1x4096xf32>
    %add3A_80 = arith.addf %add3A_78, %mul3A_79 : vector<1x4096xf32>
    %broadcast_in_dim3A_81 = arith.constant 1.000000e+00 : f32
    %broadcast_in_dim3A_82 = vector.broadcast %broadcast_in_dim3A_81 : f32 to vector<1x256xf32>
    %broadcast_in_dim3A_83 = arith.constant 1.000000e+00 : f32
    %broadcast_in_dim3A_84 = vector.broadcast %broadcast_in_dim3A_83 : f32 to vector<1x4096xf32>
    %broadcast_in_dim3A_85 = arith.constant 0.000000e+00 : f32
    %broadcast_in_dim3A_86 = vector.broadcast %broadcast_in_dim3A_85 : f32 to vector<3x256xf32>
    %broadcast_in_dim3A_87 = arith.constant 0.000000e+00 : f32
    %broadcast_in_dim3A_88 = vector.broadcast %broadcast_in_dim3A_87 : f32 to vector<3x4096xf32>
    %mul3A_89 = arith.constant -2.000000e+00 : f32
    %mul3A_90 = vector.broadcast %mul3A_89 : f32 to vector<1x256xf32>
    %mul3A_91 = arith.mulf %mul3A_90, %select_n3A : vector<1x256xf32>
    %mul3A_92 = arith.constant -2.000000e+00 : f32
    %mul3A_93 = vector.broadcast %mul3A_92 : f32 to vector<1x256xf32>
    %mul3A_94 = arith.mulf %mul3A_93, %select_n3A_37 : vector<1x256xf32>
    %mul3A_95 = arith.constant -2.000000e+00 : f32
    %mul3A_96 = vector.broadcast %mul3A_95 : f32 to vector<1x256xf32>
    %mul3A_97 = arith.mulf %mul3A_96, %select_n3A_40 : vector<1x256xf32>
    %concatenate3A = tpu.concatenate %mul3A_91, %mul3A_94, %mul3A_97, %add3A_75, %broadcast_in_dim3A_82, %broadcast_in_dim3A_86 in 0 : vector<1x256xf32>, vector<1x256xf32>, vector<1x256xf32>, vector<1x256xf32>, vector<1x256xf32>, vector<3x256xf32> -> vector<8x256xf32>
    %concatenate3A_98 = tpu.concatenate %select_n3A_64, %select_n3A_67, %select_n3A_70, %broadcast_in_dim3A_84, %add3A_80, %broadcast_in_dim3A_88 in 0 : vector<1x4096xf32>, vector<1x4096xf32>, vector<1x4096xf32>, vector<1x4096xf32>, vector<1x4096xf32>, vector<3x4096xf32> -> vector<8x4096xf32>
    %transpose3A = tpu.transpose %concatenate3A, [1, 0] : vector<8x256xf32> -> vector<256x8xf32>
    %dot_general3A = arith.constant dense<0.000000e+00> : vector<256x4096xf32>
    %dot_general3A_99 = tpu.matmul %transpose3A, %concatenate3A_98, %dot_general3A {dimension_numbers = #tpu.dot_dimension_numbers<[1], [0], [0], [1], [0, 0, 1, 1], [], []>, transpose_lhs_hint = false} : vector<256x8xf32>, vector<8x4096xf32>, vector<256x4096xf32> -> vector<256x4096xf32>
    %max3A = arith.constant 0.000000e+00 : f32
    %max3A_100 = vector.broadcast %max3A : f32 to vector<256x4096xf32>
    %max3A_101 = arith.maximumf %dot_general3A_99, %max3A_100 : vector<256x4096xf32>
    %reduce_min3A = arith.constant dense<0x7F800000> : vector<256xf32>
    %reduce_min3A_102 = vector.multi_reduction <minimumf>, %max3A_101, %reduce_min3A [1] : vector<256x4096xf32> to vector<256xf32>
    %broadcast_in_dim3A_103 = vector.shape_cast %reduce_min3A_102 : vector<256xf32> to vector<256x1xf32>
    %min3A = arith.constant 1.000000e+10 : f32
    %min3A_104 = vector.broadcast %min3A : f32 to vector<256x1xf32>
    %min3A_105 = arith.minimumf %broadcast_in_dim3A_103, %min3A_104 : vector<256x1xf32>
    %jit3A_106 = arith.constant 1.000000e+00 : f32
    %jit3A_107 = arith.constant 0.000000e+00 : f32
    %broadcast_in_dim3A_108 = vector.broadcast %jit3A_106 : f32 to vector<1x256xf32>
    %broadcast_in_dim3A_109 = vector.broadcast %jit3A_107 : f32 to vector<1x256xf32>
    %select_n3A_110 = arith.select %and3A_34, %broadcast_in_dim3A_108, %broadcast_in_dim3A_109 : vector<1x256xi1>, vector<1x256xf32>
    %dot_general3A_111 = arith.constant dense<0.000000e+00> : vector<1x1xf32>
    %dot_general3A_112 = tpu.matmul %select_n3A_110, %min3A_105, %dot_general3A_111 {dimension_numbers = #tpu.dot_dimension_numbers<[1], [0], [0], [1], [0, 0, 1, 1], [], []>, transpose_lhs_hint = false} : vector<1x256xf32>, vector<256x1xf32>, vector<1x1xf32> -> vector<1x1xf32>
    %get3A_113 = arith.constant 0 : index
    %get3A_114 = arith.constant 0 : index
    %get3A_115 = memref.load %arg11[%get3A_113, %get3A_114] : memref<1x1xf32, #tpu.memory_space<smem>>
    %squeeze3A = vector.extract %dot_general3A_112[0, 0] : f32 from vector<1x1xf32>
    %add3A_116 = arith.addf %get3A_115, %squeeze3A : f32
    %swap3A = arith.constant 0 : index
    %swap3A_117 = arith.constant 0 : index
    %swap3A_118 = memref.load %arg11[%swap3A, %swap3A_117] : memref<1x1xf32, #tpu.memory_space<smem>>
    memref.store %add3A_116, %arg11[%swap3A, %swap3A_117] : memref<1x1xf32, #tpu.memory_space<smem>>
    %get3A_119 = arith.constant 0 : index
    %get3A_120 = arith.constant 0 : index
    %get3A_121 = vector.load %arg10[%get3A_119, %get3A_120] : memref<1x4096xf32, #tpu.memory_space<vmem>>, vector<1x4096xf32>
    %reduce_min3A_122 = arith.constant dense<0x7F800000> : vector<4096xf32>
    %reduce_min3A_123 = vector.multi_reduction <minimumf>, %max3A_101, %reduce_min3A_122 [0] : vector<256x4096xf32> to vector<4096xf32>
    %broadcast_in_dim3A_124 = vector.shape_cast %reduce_min3A_123 : vector<4096xf32> to vector<1x4096xf32>
    %min3A_125 = arith.minimumf %get3A_121, %broadcast_in_dim3A_124 : vector<1x4096xf32>
    %swap3A_126 = arith.constant 0 : index
    %swap3A_127 = arith.constant 0 : index
    %swap3A_128 = vector.load %arg10[%swap3A_126, %swap3A_127] : memref<1x4096xf32, #tpu.memory_space<vmem>>, vector<1x4096xf32>
    tpu.vector_store %arg10[%swap3A_126, %swap3A_127], %min3A_125 {strides = array<i32>} : memref<1x4096xf32, #tpu.memory_space<vmem>>, vector<1x4096xf32>,
    %eq3A_129 = arith.constant 12 : i32
    %eq3A_130 = arith.cmpi eq, %arg1, %eq3A_129 : i32
    %convert_element_type3A_131 = arith.extui %eq3A_130 : i1 to i32
    %cond3A_132 = arith.constant 0 : i32
    %cond3A_133 = arith.cmpi ne, %convert_element_type3A_131, %cond3A_132 : i32
    scf.if %cond3A_133 {
      %get3A_142 = arith.constant 0 : index
      %get3A_143 = arith.constant 0 : index
      %get3A_144 = vector.load %arg10[%get3A_142, %get3A_143] : memref<1x4096xf32, #tpu.memory_space<vmem>>, vector<1x4096xf32>
      %min3A_145 = arith.constant 1.000000e+10 : f32
      %min3A_146 = vector.broadcast %min3A_145 : f32 to vector<1x4096xf32>
      %min3A_147 = arith.minimumf %get3A_144, %min3A_146 : vector<1x4096xf32>
      %squeeze3A_148 = vector.shape_cast %min3A_147 : vector<1x4096xf32> to vector<4096xf32>
      %swap3A_149 = arith.constant 0 : index
      %swap3A_150 = vector.load %arg9[%swap3A_149] : memref<4096xf32, #tpu.memory_space<vmem>>, vector<4096xf32>
      tpu.vector_store %arg9[%swap3A_149], %squeeze3A_148 {strides = array<i32>} : memref<4096xf32, #tpu.memory_space<vmem>>, vector<4096xf32>,
    } else {
    }
    %eq3A_134 = arith.constant 3 : i32
    %eq3A_135 = arith.cmpi eq, %arg0, %eq3A_134 : i32
    %eq3A_136 = arith.constant 12 : i32
    %eq3A_137 = arith.cmpi eq, %arg1, %eq3A_136 : i32
    %and3A_138 = arith.andi %eq3A_135, %eq3A_137 : i1
    %convert_element_type3A_139 = arith.extui %and3A_138 : i1 to i32
    %cond3A_140 = arith.constant 0 : i32
    %cond3A_141 = arith.cmpi ne, %convert_element_type3A_139, %cond3A_140 : i32
    scf.if %cond3A_141 {
      %get3A_142 = arith.constant 0 : index
      %get3A_143 = arith.constant 0 : index
      %get3A_144 = memref.load %arg11[%get3A_142, %get3A_143] : memref<1x1xf32, #tpu.memory_space<smem>>
      %swap3A_145 = arith.constant 0 : index
      %swap3A_146 = arith.constant 0 : index
      %swap3A_147 = memref.load %arg8[%swap3A_145, %swap3A_146] : memref<1x1xf32, #tpu.memory_space<smem>>
      memref.store %get3A_144, %arg8[%swap3A_145, %swap3A_146] : memref<1x1xf32, #tpu.memory_space<smem>>
    } else {
    }
    return
  }
  func.func @transform_0(%arg0: i32, %arg1: i32) -> (i32, i32, i32) {
    %c0_i32 = arith.constant 0 : i32
    %c0_i32_0 = arith.constant 0 : i32
    return %arg0, %c0_i32, %arg1 : i32, i32, i32
  }
  func.func @transform_1(%arg0: i32, %arg1: i32) -> (i32, i32, i32) {
    %c0_i32 = arith.constant 0 : i32
    %c0_i32_0 = arith.constant 0 : i32
    %c0_i32_1 = arith.constant 0 : i32
    return %c0_i32, %c0_i32_0, %arg1 : i32, i32, i32
  }
  func.func @transform_2(%arg0: i32, %arg1: i32) -> (i32, i32, i32) {
    %c0_i32 = arith.constant 0 : i32
    %c0_i32_0 = arith.constant 0 : i32
    %c0_i32_1 = arith.constant 0 : i32
    return %c0_i32, %c0_i32_0, %arg1 : i32, i32, i32
  }
  func.func @transform_3(%arg0: i32, %arg1: i32) -> (i32, i32, i32) {
    %c0_i32 = arith.constant 0 : i32
    %c0_i32_0 = arith.constant 0 : i32
    return %arg0, %c0_i32, %arg1 : i32, i32, i32
  }
  func.func @transform_4(%arg0: i32, %arg1: i32) -> (i32, i32, i32) {
    %c0_i32 = arith.constant 0 : i32
    %c0_i32_0 = arith.constant 0 : i32
    %c0_i32_1 = arith.constant 0 : i32
    return %arg0, %c0_i32, %c0_i32_0 : i32, i32, i32
  }
  func.func @transform_5(%arg0: i32, %arg1: i32) -> (i32, i32, i32) {
    %c0_i32 = arith.constant 0 : i32
    %c0_i32_0 = arith.constant 0 : i32
    %c0_i32_1 = arith.constant 0 : i32
    return %arg0, %c0_i32, %c0_i32_0 : i32, i32, i32
  }
  func.func @transform_6(%arg0: i32, %arg1: i32) -> (i32, i32) {
    %c0_i32 = arith.constant 0 : i32
    %c0_i32_0 = arith.constant 0 : i32
    %c0_i32_1 = arith.constant 0 : i32
    return %c0_i32, %c0_i32_0 : i32, i32
  }
  func.func @transform_7(%arg0: i32, %arg1: i32) -> i32 {
    %c0_i32 = arith.constant 0 : i32
    return %arg0 : i32
  }
}

module attributes {stable_mosaic.version = 14 : i64} {
  func.func @body(%arg0: i32, %arg1: memref<512xf32, #tpu.memory_space<vmem>>, %arg2: memref<4096xf32, #tpu.memory_space<vmem>>, %arg3: memref<4096xf32, #tpu.memory_space<vmem>>, %arg4: memref<4096xf32, #tpu.memory_space<vmem>>, %arg5: memref<4096xf32, #tpu.memory_space<vmem>>, %arg6: memref<4096xf32, #tpu.memory_space<vmem>>, %arg7: memref<4096xi32, #tpu.memory_space<vmem>>, %arg8: memref<1x1xf32, #tpu.memory_space<smem>>, %arg9: memref<1x1xf32, #tpu.memory_space<smem>>) attributes {dimension_semantics = [#tpu.dimension_semantics<arbitrary>], iteration_bounds = array<i64: 4>, scalar_prefetch = 0 : i64, scratch_operands = 1 : i64, tpu.core_type = #tpu.core_type<tc>, window_params = [{pipeline_mode = #tpu.pipeline_mode<synchronous>, transform_indices = @transform_0, window_bounds = array<i64: 512>}, {transform_indices = @transform_1, window_bounds = array<i64: 4096>}, {transform_indices = @transform_2, window_bounds = array<i64: 4096>}, {transform_indices = @transform_3, window_bounds = array<i64: 4096>}, {transform_indices = @transform_4, window_bounds = array<i64: 4096>}, {transform_indices = @transform_5, window_bounds = array<i64: 4096>}, {transform_indices = @transform_6, window_bounds = array<i64: 4096>}, {transform_indices = @transform_7, window_bounds = array<i64: 1, 1>}]} {
    %eq3A = arith.constant 0 : i32
    %eq3A_0 = arith.cmpi eq, %arg0, %eq3A : i32
    %convert_element_type3A = arith.extui %eq3A_0 : i1 to i32
    %cond3A = arith.constant 0 : i32
    %cond3A_1 = arith.cmpi ne, %convert_element_type3A, %cond3A : i32
    scf.if %cond3A_1 {
      %get3A_33 = arith.constant 0 : index
      %get3A_34 = vector.load %arg1[%get3A_33] : memref<512xf32, #tpu.memory_space<vmem>>, vector<512xf32>
      %reduce_sum3A_35 = vector.shape_cast %get3A_34 : vector<512xf32> to vector<1x512xf32>
      %reduce_sum3A_36 = arith.constant dense<0.000000e+00> : vector<1xf32>
      %reduce_sum3A_37 = vector.multi_reduction <add>, %reduce_sum3A_35, %reduce_sum3A_36 [1] : vector<1x512xf32> to vector<1xf32>
      %reduce_sum3A_38 = vector.shape_cast %reduce_sum3A_37 : vector<1xf32> to vector<1x1xf32>
      %reduce_sum3A_39 = vector.extract %reduce_sum3A_38[0, 0] : f32 from vector<1x1xf32>
      %swap3A_40 = arith.constant 0 : index
      %swap3A_41 = arith.constant 0 : index
      %swap3A_42 = memref.load %arg9[%swap3A_40, %swap3A_41] : memref<1x1xf32, #tpu.memory_space<smem>>
      memref.store %reduce_sum3A_39, %arg9[%swap3A_40, %swap3A_41] : memref<1x1xf32, #tpu.memory_space<smem>>
    } else {
    }
    %get3A = arith.constant 0 : index
    %get3A_2 = vector.load %arg4[%get3A] : memref<4096xf32, #tpu.memory_space<vmem>>, vector<4096xf32>
    %get3A_3 = arith.constant 0 : index
    %get3A_4 = vector.load %arg5[%get3A_3] : memref<4096xf32, #tpu.memory_space<vmem>>, vector<4096xf32>
    %get3A_5 = arith.constant 0 : index
    %get3A_6 = vector.load %arg6[%get3A_5] : memref<4096xf32, #tpu.memory_space<vmem>>, vector<4096xf32>
    %get3A_7 = arith.constant 0 : index
    %get3A_8 = vector.load %arg7[%get3A_7] : memref<4096xi32, #tpu.memory_space<vmem>>, vector<4096xi32>
    %gt3A = arith.constant 0 : i32
    %gt3A_9 = vector.broadcast %gt3A : i32 to vector<4096xi32>
    %gt3A_10 = arith.cmpi sgt, %get3A_8, %gt3A_9 : vector<4096xi32>
    %add3A = arith.addf %get3A_2, %get3A_4 : vector<4096xf32>
    %add3A_11 = arith.addf %add3A, %get3A_6 : vector<4096xf32>
    %ne3A = arith.constant 0.000000e+00 : f32
    %ne3A_12 = vector.broadcast %ne3A : f32 to vector<4096xf32>
    %ne3A_13 = arith.cmpf one, %add3A_11, %ne3A_12 : vector<4096xf32>
    %and3A = arith.andi %gt3A_10, %ne3A_13 : vector<4096xi1>
    %get3A_14 = arith.constant 0 : index
    %get3A_15 = vector.load %arg2[%get3A_14] : memref<4096xf32, #tpu.memory_space<vmem>>, vector<4096xf32>
    %get3A_16 = arith.constant 0 : index
    %get3A_17 = vector.load %arg3[%get3A_16] : memref<4096xf32, #tpu.memory_space<vmem>>, vector<4096xf32>
    %min3A = arith.minimumf %get3A_15, %get3A_17 : vector<4096xf32>
    %get3A_18 = arith.constant 0 : index
    %get3A_19 = arith.constant 0 : index
    %get3A_20 = memref.load %arg9[%get3A_18, %get3A_19] : memref<1x1xf32, #tpu.memory_space<smem>>
    %jit3A = arith.constant 0.000000e+00 : f32
    %broadcast_in_dim3A = vector.broadcast %jit3A : f32 to vector<4096xf32>
    %select_n3A = arith.select %and3A, %min3A, %broadcast_in_dim3A : vector<4096xi1>, vector<4096xf32>
    %reduce_sum3A = vector.shape_cast %select_n3A : vector<4096xf32> to vector<1x4096xf32>
    %reduce_sum3A_21 = arith.constant dense<0.000000e+00> : vector<1xf32>
    %reduce_sum3A_22 = vector.multi_reduction <add>, %reduce_sum3A, %reduce_sum3A_21 [1] : vector<1x4096xf32> to vector<1xf32>
    %reduce_sum3A_23 = vector.shape_cast %reduce_sum3A_22 : vector<1xf32> to vector<1x1xf32>
    %reduce_sum3A_24 = vector.extract %reduce_sum3A_23[0, 0] : f32 from vector<1x1xf32>
    %add3A_25 = arith.addf %get3A_20, %reduce_sum3A_24 : f32
    %swap3A = arith.constant 0 : index
    %swap3A_26 = arith.constant 0 : index
    %swap3A_27 = memref.load %arg9[%swap3A, %swap3A_26] : memref<1x1xf32, #tpu.memory_space<smem>>
    memref.store %add3A_25, %arg9[%swap3A, %swap3A_26] : memref<1x1xf32, #tpu.memory_space<smem>>
    %eq3A_28 = arith.constant 3 : i32
    %eq3A_29 = arith.cmpi eq, %arg0, %eq3A_28 : i32
    %convert_element_type3A_30 = arith.extui %eq3A_29 : i1 to i32
    %cond3A_31 = arith.constant 0 : i32
    %cond3A_32 = arith.cmpi ne, %convert_element_type3A_30, %cond3A_31 : i32
    scf.if %cond3A_32 {
      %get3A_33 = arith.constant 0 : index
      %get3A_34 = arith.constant 0 : index
      %get3A_35 = memref.load %arg9[%get3A_33, %get3A_34] : memref<1x1xf32, #tpu.memory_space<smem>>
      %swap3A_36 = arith.constant 0 : index
      %swap3A_37 = arith.constant 0 : index
      %swap3A_38 = memref.load %arg8[%swap3A_36, %swap3A_37] : memref<1x1xf32, #tpu.memory_space<smem>>
      memref.store %get3A_35, %arg8[%swap3A_36, %swap3A_37] : memref<1x1xf32, #tpu.memory_space<smem>>
    } else {
    }
    return
  }
  func.func @transform_0(%arg0: i32) -> i32 {
    %c0_i32 = arith.constant 0 : i32
    %c0_i32_0 = arith.constant 0 : i32
    return %c0_i32 : i32
  }
  func.func @transform_1(%arg0: i32) -> i32 {
    %c0_i32 = arith.constant 0 : i32
    return %arg0 : i32
  }
  func.func @transform_2(%arg0: i32) -> i32 {
    %c0_i32 = arith.constant 0 : i32
    return %arg0 : i32
  }
  func.func @transform_3(%arg0: i32) -> i32 {
    %c0_i32 = arith.constant 0 : i32
    return %arg0 : i32
  }
  func.func @transform_4(%arg0: i32) -> i32 {
    %c0_i32 = arith.constant 0 : i32
    return %arg0 : i32
  }
  func.func @transform_5(%arg0: i32) -> i32 {
    %c0_i32 = arith.constant 0 : i32
    return %arg0 : i32
  }
  func.func @transform_6(%arg0: i32) -> i32 {
    %c0_i32 = arith.constant 0 : i32
    return %arg0 : i32
  }
  func.func @transform_7(%arg0: i32) -> (i32, i32) {
    %c0_i32 = arith.constant 0 : i32
    %c0_i32_0 = arith.constant 0 : i32
    %c0_i32_1 = arith.constant 0 : i32
    return %c0_i32, %c0_i32_0 : i32, i32
  }
}

</mosaic_0001>

<sc_bundles>
// kernel: kernel.5.cloned.1.call-start
scs
__scs_entry_jumppad:
0x0: {  	(pc) =	sbr.rel $0x88, $3  }
0x1: {  	(tag) =	ssettag $0x0;
	lr =	simm.s32 $0x1  }
0x2: {  	[smem:$0x3F9A] =	sst lr;
	_ =	strace $0xD0000000  }
0x3: {  	_ = 	snop  }
0x4: {  	_ = 	snop  }
0x5: {  	_ = 	snop  }
0x6: {  	_ = 	snop  }
0x7: {  	_ = 	snop  }
__scs_overlays_trampoline_lowered:
0x8: {  	[smem:$0x3FA9] =	sst s0  }
0x9: {  	[smem:$0x3FAA] =	sst s1  }
0xa: {  	[smem:$0x3FAB] =	sst s2  }
0xb: {  	[smem:$0x3FAC] =	sst s3  }
0xc: {  	[smem:$0x3FAD] =	sst s4  }
0xd: {  	[smem:$0x3FAE] =	sst s5  }
0xe: {  	[smem:$0x3FAF] =	sst s6  }
0xf: {  	[smem:$0x3FB0] =	sst s7  }
0x10: {  	[smem:$0x3FB1] =	sst s8  }
0x11: {  	[smem:$0x3FB2] =	sst s9;
	s0 =	simm.s32 @!p0 $0x0  }
0x12: {  	s1 =	sld [smem:$0x3F98];
	s0 =	simm.s32 @p0 $0x1  }
0x13: {  	[smem:$0x3FB3] =	sst s0;
	s0 =	simm.s32 @!p1 $0x0  }
0x14: {  	s2 =	sld [smem:$0x3F97];
	s0 =	simm.s32 @p1 $0x1  }
0x15: {  	[smem:$0x3FB4] =	sst s0;
	s0 =	simm.s32 @!p2 $0x0  }
0x16: {  	s3 =	sld [smem:$0x3FDB];
	s0 =	simm.s32 @p2 $0x1  }
0x17: {  	s4 =	simm.s32 $0x1BF5;
	[smem:$0x3FB6] =	sst s0  }
0x18: {  	s0 =	sld [smem:$0x3F99];
	_ =	swait.ge [sflag:s4], $0x0  }
0x19: {  	s7 =	sld [smem:$0x3F9A]  }
0x1a: {  	s8 =	sadd.s32 $0xFFFFE003, lr  }
0x1b: {  	s9 =	sadd.s32 $0xFFFFFEF7, lr;
	s5 =	simm.s32 $0xFFFFFFFF;
	p2 =	slt.u32 s8, $0xFFFFF086  }
0x1c: {  	p1 =	slt.u32 s9, $0xF7A;
	s5 =	simm.s32 @!p2 $0x0  }
0x1d: {  	s5 =	simm.s32 @p1 $0x1;
	p0 =	seq.s32 s7, s2  }
0x1e: {  	s7 =	smul.u32 @!p0 $0xF7A, s2;
	p2 =	seq.s32 @!p0 s5, $0x0  }
0x1f: {  	s9 =	smul.u32 $0xF7A, s1;
	s8 =	simm.s32 @!p0 $0x1BF5;
	p2 =	por !p2, p0  }
0x20: {  	[sflag:s8] =	ssyncset.s32 @!p0 $0xFFFFF086;
	s6 =	sadd.s32 @!p0 s3, s7;
	s7 =	simm.s32 @!p0 $0x108  }
0x21: {  	s3 =	sadd.s32 s3, s9;
	s6 =	sadd.s32 @!p0 $0x88, s6;
	s7 =	simm.s32 @p2 $0x1082  }
0x22: {  	[simem:s7], [sflag:s8] =	dma.local @!p0 [hbm:s6], $0xF7A  }
0x23: {  	s9 =	sor.u32 $0xD0000000, s2;
	s6 =	simm.s32 $0x108;
	_ =	swait.ge @!p0 [sflag:s8], $0x0  }
0x24: {  	s3 =	sadd.s32 $0x88, s3;
	s6 =	simm.s32 @!p1 $0x1082;
	[sflag:s4] =	ssyncset.s32 $0xFFFFF086  }
0x25: {  	[simem:s6], [sflag:s4] =	dma.local [hbm:s3], $0xF7A  }
0x26: {  	[smem:$0x3F9A] =	sst s1;
	(tag) =	ssettag s2;
	_ =	strace s9  }
0x27: {  	s1 =	sld [smem:$0x3FAA]  }
0x28: {  	s2 =	sld [smem:$0x3FAB]  }
0x29: {  	s4 =	sld [smem:$0x3FAD]  }
0x2a: {  	p0 =	seq.s32 s5, $0x0;
	s5 =	sld [smem:$0x3FAE]  }
0x2b: {  	s6 =	sld [smem:$0x3FAF]  }
0x2c: {  	s7 =	sld [smem:$0x3FB0]  }
0x2d: {  	s3 =	simm.s32 $0x108;
	s8 =	sld [smem:$0x3FB1]  }
0x2e: {  	s3 =	simm.s32 @!p0 $0x1082;
	s9 =	sld [smem:$0x3FB2]  }
0x2f: {  	lr =	sadd.s32 s0, s3;
	s0 =	sld [smem:$0x3FA9]  }
0x30: {  	s3 =	sld [smem:$0x3FAC]  }
0x31: {  	[smem:$0x3FB5] =	sst s10  }
0x32: {  	s10 =	sld [smem:$0x3FB3];
	_ =	sdelay $0x3  }
0x33: {  	p0 =	seq.s32 s10, $0x1;
	s10 =	sld [smem:$0x3FB5];
	_ =	sdelay $0x3  }
0x34: {  	[smem:$0x3FB5] =	sst s10  }
0x35: {  	s10 =	sld [smem:$0x3FB4];
	_ =	sdelay $0x3  }
0x36: {  	p1 =	seq.s32 s10, $0x1;
	s10 =	sld [smem:$0x3FB5];
	_ =	sdelay $0x3  }
0x37: {  	[smem:$0x3FB5] =	sst s10  }
0x38: {  	s10 =	sld [smem:$0x3FB6]  }
0x39: {  	_ = 	snop;
	(pc) =	sbr.ind lr, $3  }
0x3a: {  	_ = 	snop  }
0x3b: {  	_ = 	snop  }
0x3c: {  	p2 =	seq.s32 s10, $0x1;
	s10 =	sld [smem:$0x3FB5]  }
0x3d: {  	_ =	shalt  }
0x3e: {  	_ =	shalt  }
0x3f: {  	_ =	shalt  }
0x40: {  	_ =	shalt  }
0x41: {  	_ =	shalt  }
0x42: {  	_ =	shalt  }
0x43: {  	_ =	shalt  }
0x44: {  	_ =	shalt  }
0x45: {  	_ =	shalt  }
0x46: {  	_ =	shalt  }
0x47: {  	_ =	shalt  }
0x48: {  	_ =	shalt  }
0x49: {  	_ =	shalt  }
0x4a: {  	_ =	shalt  }
0x4b: {  	_ =	shalt  }
0x4c: {  	_ =	shalt  }
0x4d: {  	_ =	shalt  }
0x4e: {  	_ =	shalt  }
0x4f: {  	_ =	shalt  }
0x50: {  	_ =	shalt  }
0x51: {  	_ =	shalt  }
0x52: {  	_ =	shalt  }
0x53: {  	_ =	shalt  }
0x54: {  	_ =	shalt  }
0x55: {  	_ =	shalt  }
0x56: {  	_ =	shalt  }
0x57: {  	_ =	shalt  }
0x58: {  	_ =	shalt  }
0x59: {  	_ =	shalt  }
0x5a: {  	_ =	shalt  }
0x5b: {  	_ =	shalt  }
0x5c: {  	_ =	shalt  }
0x5d: {  	_ =	shalt  }
0x5e: {  	_ =	shalt  }
0x5f: {  	_ =	shalt  }
0x60: {  	_ =	shalt  }
0x61: {  	_ =	shalt  }
0x62: {  	_ =	shalt  }
0x63: {  	_ =	shalt  }
0x64: {  	_ =	shalt  }
0x65: {  	_ =	shalt  }
0x66: {  	_ =	shalt  }
0x67: {  	_ =	shalt  }
0x68: {  	_ =	shalt  }
0x69: {  	_ =	shalt  }
0x6a: {  	_ =	shalt  }
0x6b: {  	_ =	shalt  }
0x6c: {  	_ =	shalt  }
0x6d: {  	_ =	shalt  }
0x6e: {  	_ =	shalt  }
0x6f: {  	_ =	shalt  }
0x70: {  	_ =	shalt  }
0x71: {  	_ =	shalt  }
0x72: {  	_ =	shalt  }
0x73: {  	_ =	shalt  }
0x74: {  	_ =	shalt  }
0x75: {  	_ =	shalt  }
0x76: {  	_ =	shalt  }
0x77: {  	_ =	shalt  }
0x78: {  	_ =	shalt  }
0x79: {  	_ =	shalt  }
0x7a: {  	_ =	shalt  }
0x7b: {  	_ =	shalt  }
0x7c: {  	_ =	shalt  }
0x7d: {  	_ =	shalt  }
0x7e: {  	_ =	shalt  }
0x7f: {  	_ =	shalt  }
0x80: {  	_ =	shalt  }
0x81: {  	_ =	shalt  }
0x82: {  	_ =	shalt  }
0x83: {  	_ =	shalt  }
0x84: {  	_ =	shalt  }
0x85: {  	_ =	shalt  }
0x86: {  	_ =	shalt  }
0x87: {  	_ =	shalt  }
.Lfunc_end0:
.L_simem_size_0:
called_computation_lowered:
.L_overlay_start_0:
0x88: {  	s2 =	sld [smem:$0x3FD9]  }
0x89: {  	s3 =	sld [smem:$0x3FFE];
	_ =	sdelay $0x1  }
0x8a: {  	s1 =	srdreg.scid  }
0x8b: {  	s0 =	sand.u32 $0x1, s1  }
0x8c: {  	s16 =	sshll.u32 s0, $0xA;
	s2 =	sadd.s32 s3, s2  }
0x8d: {  	s2 =	sadd.s32 s2, s16  }
0x8e: {  	[smem:$0x3FC1] =	sst s2  }
0x8f: {  	_ = 	snop  }
0x90: {  	(tm) =	ssettm $0x1  }
0x91: {  	s17 =	sld [smem:$0x3FFB];
	_ =	sdelay $0x3  }
0x92: {  	_ =	strace s17  }
0x93: {  	s2 =	sld [smem:$0x3FFC];
	_ =	sdelay $0x3  }
0x94: {  	_ =	strace s2  }
0x95: {  	s2 =	sld [smem:$0x3FFD];
	_ =	sdelay $0x3  }
0x96: {  	_ =	strace s2  }
0x97: {  	_ =	strace $0x8FFFFFFF  }
0x98: {  	s18 =	sld [smem:$0x3FDB];
	_ =	sdelay $0x1  }
0x99: {  	s19 =	simm.s32 $_scs_section_size  }
0x9a: {  	s4 =	simm.s32 $_size__tile_overlayer_lowered;
	s5 =	simm.s32 $_tile_overlayer_lowered  }
0x9b: {  	s22 =	simm.s32 $0x1BFF;
	s21 =	sshll.u32 s5, $0x1;
	s2 =	sadd.s32 s19, s18  }
0x9c: {  	s6 =	simm.s32 $0x0;
	s20 =	sshll.u32 s4, $0x1;
	s4 =	sadd.s32 s21, s2  }
0x9d: {  	[timem:s6], [sflag:s22] =	dma.local [hbm:s4], s20  }
0x9e: {  	_ =	swait.ge [sflag:s22], s20  }
0x9f: {  	s3 =	ssub.s32 $0x0, s20;
	[sflag:s22] =	ssyncset.done $0x0  }
0xa0: {  	[sflag:s22] =	ssyncadd.s32 s3;
	_ =	sdelay $0x1  }
0xa1: {  	s23 =	simm.s32 $0x1B8B  }
0xa2: {  	_ =	swait.ge [sflag:s23], $0x1  }
0xa3: {  	[sflag:s23] =	ssyncset.done $0x0  }
0xa4: {  	s25 =	simm.s32 $0x1B8E;
	s24 =	sld [smem:$0x3FFE];
	[sflag:s23] =	ssyncadd.s32 $0xFFFFFFFF  }
0xa5: {  	s26 =	simm.s32 $execute0_lowered;
	[smem:$0x3FD2] =	sst s25  }
0xa6: {  	s4 =	sshll.u32 s26, $0x1;
	_ =	strace $0x80000046;
	[dreg:$0x1] =	wrdreg $0xFFFFFFFF  }
0xa7: {  	s28 =	simm.s32 $_size_execute0_lowered;
	s2 =	sadd.s32 s2, s4;
	[dreg:$0x0] =	wrdreg $0x0  }
0xa8: {  	s4 =	sshll.u32 s28, $0x1;
	[dreg:$0x2] =	wrdreg s2  }
0xa9: {  	[dreg:$0x3] =	wrdreg s4  }
0xaa: {  	[dreg:$0x4] =	wrdreg $0xC0  }
0xab: {  	_ =	task [dreg:s6], $0x5FFFF  }
0xac: {  	[dreg:$0x1] =	wrdreg $0xFFFFFFFF  }
0xad: {  	[dreg:$0x0] =	wrdreg $0x60  }
0xae: {  	[dreg:$0x2] =	wrdreg s24  }
0xaf: {  	[dreg:$0x3] =	wrdreg $0x9  }
0xb0: {  	_ =	task.clear_ibuf [dreg:s6], $0x4FFFF;
	_ =	strace $0x90000046  }
0xb1: {  	s29 =	simm.s32 $0x9;
	_ =	strace $0x80000048  }
0xb2: {  	_ =	swait.ge [sflag:s29], $0x1  }
0xb3: {  	[sflag:s29] =	ssyncadd.s32 $0xFFFFFFFF  }
0xb4: {  	_ =	strace $0x90000048  }
0xb5: {  	_ =	sfence  }
0xb6: {  	s30 =	sld [smem:$0x0];
	_ =	sdelay $0x2  }
0xb7: {  	s31 =	sshll.u32 s1, $0xD;
	s1 =	sshrl.u32 s1, $0x2  }
0xb8: {  	s3 =	sand.u32 $0x4000, s31;
	s1 =	sadd.s32 s1, s30  }
0xb9: {  	s0 =	sor.u32 s3, s0;
	s1 =	sshll.u32 s1, $0x11  }
0xba: {  	s0 =	sor.u32 s1, s0  }
0xbb: {  	s0 =	sadd.s32 $0x8F2B, s0  }
0xbc: {  	[sflag:s0] =	ssyncadd.remote.s32 $0x1  }
0xbd: {  	_ =	sfence.sel $0xFFFF  }
0xbe: {  	[dreg:$0x0] =	wrdreg $0xFFFFFFFF;
	(pc) =	sbr.abs _section_cstart, $3  }
0xbf: {  	[dreg:$0x1] =	wrdreg $0xFFFFFFFF  }
0xc0: {  	_ =	task.clear_ibuf [dreg:s6], $0x2FFFF;
	_ =	strace $0x9FFFFFFF  }
0xc1: {  	(tm) =	ssettm $0x7FFFFFFF  }
tec
execute0_lowered:
.L_overlay_start_1:
0x0: {  	(tag) =	ssettag $0x1  }
0x1: {  	s3 =	stileid.u32  }
0x2: {  	s0 =	srdreg.scid;
	s1 =	rddreg [dreg:$0x0];
	s15 =	simm.s32 $0x1  }
0x3: {  	s22 =	simm.s32 $0x5380;
	s23 =	simm.s32 $0x6400;
	s24 =	simm.s32 $0x7480  }
0x4: {  	s25 =	simm.s32 $0x4900;
	s26 =	simm.s32 $0x4C80;
	s28 =	simm.s32 $0x5000  }
0x5: {  	s31 =	simm.s32 $0x0;
	s0 =	sand.u32 $0x1, s0;
	s2 =	sshll.u32 s3, $0x1  }
0x6: {  	s3 =	sshll.u32 s3, $0xA;
	s5 =	sor.u32 s0, s2;
	s2 =	simm.s32 $0x0  }
0x7: {  	s6 =	sand.u32 $0x3000, s3;
	s0 =	ssub.s32 $0x2, s0;
	s3 =	sand.u32 $0x7, s5  }
0x8: {  	[smem:$0x7FF] =	sst s2;
	s7 =	sshrl.u32 s6, $0x3;
	s5 =	sshll.u32 s5, $0x1  }
0x9: {  	s29 =	sshrl.u32 s0, $0x1;
	s4 =	sshll.u32 s3, $0x9;
	_ =	strace $0x80000047  }
0xa: {  	s11 =	sadd.s32 s7, s1;
	s12 =	sadd.s32 s5, s1;
	s0 =	ssub.s32 s0, s29  }
.Ltmp0:
0xb: {  	s7 =	sadd.s32 $0x4BA0, s1;
	s6 =	sor.u32 s6, s4;
	(pc) =	sbr.rel .LBB2_1-.Ltmp0, $4  }
0xc: {  	s30 =	sadd.s32 $0x23A0, s11;
	s8 =	sadd.s32 $0x2A00, s11;
	s9 =	sadd.s32 $0x3200, s11  }
0xd: {  	s10 =	sadd.s32 $0x3A00, s11;
	s11 =	sadd.s32 $0x4200, s11;
	s6 =	sshrl.u32 s6, $0x3  }
0xe: {  	s12 =	sadd.s32 $0x4E00, s12;
	s14 =	smax.u32 s0, $0x1;
	s13 =	sadd.s32 s6, s1  }
0xf: {  	v0 =	vimm.s32 $0x0;
	v1 =	vimm.f32 $1.000000000e+05;
	v2 =	vlaneseq.u32;
	[dreg:$0x2] =	wrdreg s30;
	s6 =	sadd.s32 $0x4DA0, s1;
	s13 =	sadd.s32 $0x5000, s13  }
.LBB2_19:
0x10: {  	s31 =	sadd.s32 $0x1, s31  }
0x11: {  	p0 =	sne.s32 s31, s14  }
.Ltmp1:
0x12: {  	s0 =	simm.s32 $0x8580;
	(pc) =	sbr.rel @!p0 .LBB2_20-.Ltmp1, $4  }
0x13: {  	[hbm4b:s13+s2] =	stream.linear.scatter [tilespmem:s0], [sflag:$0x1], $0x200, $0x38;
	[tilespmem:$0x8780] =	vst v63  }
0x14: {  	_ =	swait.ge [sflag:s15], $0x200  }
0x15: {  	[sflag:s15] =	ssyncset.done $0x0  }
0x16: {  	[sflag:s15] =	ssyncadd.s32 $0xFFFFFE00  }
.LBB2_1:
0x17: {  	s0 =	rddreg [dreg:$0x2]  }
0x18: {  	[tilespmem:s2], [sflag:$0x1] =	stream.linear.gather [hbm4b:s0+s2], $0x300, $0x38;
	[tilespmem:$0x8780] =	vst v63  }
0x19: {  	_ =	swait.ge [sflag:s15], $0x300  }
0x1a: {  	[sflag:s15] =	ssyncset.done $0x0  }
0x1b: {  	s16 =	simm.s32 $0x300;
	[sflag:s15] =	ssyncadd.s32 $0xFFFFFD00  }
0x1c: {  	[tilespmem:s16], [sflag:$0x1] =	stream.linear.gather [hbm4b:s6+s2], $0x300, $0x38;
	[tilespmem:$0x8780] =	vst v63  }
0x1d: {  	_ =	swait.ge [sflag:s15], $0x300  }
0x1e: {  	[sflag:s15] =	ssyncset.done $0x0  }
0x1f: {  	s17 =	simm.s32 $0x600;
	[sflag:s15] =	ssyncadd.s32 $0xFFFFFD00  }
0x20: {  	[tilespmem:s17], [sflag:$0x1] =	stream.linear.gather [hbm4b:s7+s2], $0x300, $0x38;
	[tilespmem:$0x8780] =	vst v63  }
0x21: {  	_ =	swait.ge [sflag:s15], $0x300  }
0x22: {  	[sflag:s15] =	ssyncset.done $0x0  }
0x23: {  	s18 =	simm.s32 $0x900;
	[sflag:s15] =	ssyncadd.s32 $0xFFFFFD00  }
0x24: {  	[tilespmem:s18], [sflag:$0x1] =	stream.linear.gather [hbm4b:s8+s2], $0x1000, $0x38;
	[tilespmem:$0x8780] =	vst v63  }
0x25: {  	_ =	swait.ge [sflag:s15], $0x1000  }
0x26: {  	[sflag:s15] =	ssyncset.done $0x0  }
0x27: {  	s19 =	simm.s32 $0x1900;
	[sflag:s15] =	ssyncadd.s32 $0xFFFFF000  }
0x28: {  	[tilespmem:s19], [sflag:$0x1] =	stream.linear.gather [hbm4b:s9+s2], $0x1000, $0x38;
	[tilespmem:$0x8780] =	vst v63  }
0x29: {  	_ =	swait.ge [sflag:s15], $0x1000  }
0x2a: {  	[sflag:s15] =	ssyncset.done $0x0  }
0x2b: {  	s20 =	simm.s32 $0x2900;
	[sflag:s15] =	ssyncadd.s32 $0xFFFFF000  }
0x2c: {  	[tilespmem:s20], [sflag:$0x1] =	stream.linear.gather [hbm4b:s10+s2], $0x1000, $0x38;
	[tilespmem:$0x8780] =	vst v63  }
0x2d: {  	_ =	swait.ge [sflag:s15], $0x1000  }
0x2e: {  	[sflag:s15] =	ssyncset.done $0x0  }
0x2f: {  	s21 =	simm.s32 $0x3900;
	[sflag:s15] =	ssyncadd.s32 $0xFFFFF000  }
0x30: {  	[tilespmem:s21], [sflag:$0x1] =	stream.linear.gather [hbm4b:s11+s2], $0x1000, $0x38;
	[tilespmem:$0x8780] =	vst v63  }
0x31: {  	_ =	swait.ge [sflag:s15], $0x1000  }
0x32: {  	[sflag:s15] =	ssyncset.done $0x0  }
0x33: {  	s29 =	simm.s32 $0x0;
	[sflag:s15] =	ssyncadd.s32 $0xFFFFF000  }
0x34: {  	v3 =	vld [tilespmem:s29+$0x900]  }
0x35: {  	v4 =	vld [tilespmem:s29+$0x1900];
	_ =	sdelay $0x1  }
0x36: {  	v5 =	vld [tilespmem:s29+$0x2900];
	_ =	sdelay $0x2  }
0x37: {  	v6 =	vld [tilespmem:s29+$0x3900];
	v7 =	vadd.f32 v4, v3;
	_ =	sdelay $0x1  }
0x38: {  	v7 =	vadd.f32 v5, v7;
	_ =	sdelay $0x1  }
0x39: {  	vm0 =	vlt.f32 v7, $0.0e+00;
	vm1 =	vgt.f32 v7, $0.0e+00  }
0x3a: {  	vm2 =	vgt.s32 v6, $0x0;
	vm0 =	vmor vm1, vm0  }
0x3b: {  	vm0 =	vmand vm2, vm0  }
0x3c: {  	v6 =	vsel vm0, $0x1, v0  }
0x3d: {  	(xrf0) =	vadd.scan.msk.s32 $0xffff, v6;
	_ =	sdelay $0x5  }
0x3e: {  	v7, _, _ =	vpop (xrf0)  }
0x3f: {  	v6 =	vsub.s32 v7, v6;
	(v2sf) =	vpush v7, $0xF  }
0x40: {  	v6 =	vadd.s32 s2, v6;
	_ =	sdelay $0x4  }
0x41: {  	[tilespmem:v6+s22+$0x0] =	vst.idx.msk vm0, v3  }
0x42: {  	[tilespmem:v6+s23+$0x0] =	vst.idx.msk vm0, v4  }
0x43: {  	s30 =	simm.s32 $0x10;
	[tilespmem:v6+s24+$0x0] =	vst.idx.msk vm0, v5  }
0x44: {  	v4 =	vld [tilespmem:s30+$0x900]  }
0x45: {  	v5 =	vld [tilespmem:s30+$0x1900];
	_ =	sdelay $0x1  }
0x46: {  	v3 =	vld [tilespmem:s30+$0x2900]  }
0x47: {  	s1 =	simm.s32 $0x80;
	s0 =	simm.s32 $0x0;
	v6 =	vld [tilespmem:s30+$0x3900]  }
.LBB2_2:
0x48: {  	p0 =	sne.s32 s1, $0x3FC0  }
0x49: {  	v7 =	vadd.f32 v5, v4;
	s16 =	spop (v2sf);
	s17 =	smov.u32 s1;
	s1 =	sadd.s32 $0x40, s1  }
0x4a: {  	s0 =	sadd.s32 s0, s16  }
0x4b: {  	v7 =	vadd.f32 v3, v7;
	_ =	sdelay $0x1  }
0x4c: {  	vm0 =	vgt.s32 v6, $0x0;
	vm1 =	vlt.f32 v7, $0.0e+00;
	vm2 =	vgt.f32 v7, $0.0e+00  }
0x4d: {  	vm1 =	vmor vm2, vm1  }
0x4e: {  	vm0 =	vmand vm0, vm1  }
0x4f: {  	v6 =	vsel vm0, $0x1, v0  }
0x50: {  	(xrf0) =	vadd.scan.msk.s32 $0xffff, v6;
	_ =	sdelay $0x5  }
0x51: {  	v7, _, _ =	vpop (xrf0)  }
0x52: {  	v6 =	vsub.s32 v7, v6;
	(v2sf) =	vpush v7, $0xF  }
0x53: {  	v6 =	vadd.s32 s0, v6;
	_ =	sdelay $0x4  }
0x54: {  	[tilespmem:v6+s22+$0x0] =	vst.idx.msk vm0, v4  }
0x55: {  	[tilespmem:v6+s23+$0x0] =	vst.idx.msk vm0, v5  }
0x56: {  	s16 =	sshra.s32 s17, $0x2;
	[tilespmem:v6+s24+$0x0] =	vst.idx.msk vm0, v3  }
0x57: {  	v4 =	vld [tilespmem:s16+$0x900]  }
.Ltmp2:
0x58: {  	v5 =	vld [tilespmem:s16+$0x1900];
	(pc) =	sbr.rel @p0 .LBB2_2-.Ltmp2, $2  }
0x59: {  	v3 =	vld [tilespmem:s16+$0x2900];
	_ =	sdelay $0x2  }
0x5a: {  	v6 =	vld [tilespmem:s16+$0x3900]  }
0x5b: {  	v7 =	vadd.f32 v5, v4;
	_ =	sdelay $0x1  }
0x5c: {  	v7 =	vadd.f32 v3, v7;
	_ =	sdelay $0x1  }
0x5d: {  	vm0 =	vlt.f32 v7, $0.0e+00;
	vm1 =	vgt.f32 v7, $0.0e+00  }
0x5e: {  	vm2 =	vgt.s32 v6, $0x0;
	vm0 =	vmor vm1, vm0  }
0x5f: {  	vm0 =	vmand vm2, vm0  }
0x60: {  	v6 =	vsel vm0, $0x1, v0  }
0x61: {  	(xrf0) =	vadd.scan.msk.s32 $0xffff, v6;
	_ =	sdelay $0x5  }
0x62: {  	s1 =	spop (v2sf);
	v7, _, _ =	vpop (xrf0)  }
0x63: {  	s1 =	sadd.s32 s0, s1;
	v6 =	vsub.s32 v7, v6  }
0x64: {  	v6 =	vadd.s32 s1, v6;
	_ =	sdelay $0x4  }
0x65: {  	[tilespmem:v6+s22+$0x0] =	vst.idx.msk vm0, v4  }
0x66: {  	[tilespmem:v6+s23+$0x0] =	vst.idx.msk vm0, v5  }
0x67: {  	s30 =	simm.s32 $0x0;
	[tilespmem:v6+s24+$0x0] =	vst.idx.msk vm0, v3  }
0x68: {  	v3 =	vld [tilespmem:s30+$0x600]  }
0x69: {  	v4 =	vld [tilespmem:s30+$0x0]  }
0x6a: {  	v5 =	vld [tilespmem:s30+$0x300];
	_ =	sdelay $0x4  }
0x6b: {  	v3 =	vmul.f32 v3, v4;
	v5 =	vmul.f32 v5, v4;
	_ =	sdelay $0x1  }
0x6c: {  	(v2sf) =	vpush v7, $0xF;
	v6 =	vld [tilespmem:s30+$0x3900];
	v8 =	vadd.f32 v3, v5;
	_ =	sdelay $0x1  }
0x6d: {  	v8 =	vadd.f32 v8, v4;
	_ =	sdelay $0x1  }
0x6e: {  	vm13 =	vlt.f32 v8, $0.0e+00;
	vm14 =	vgt.f32 v8, $0.0e+00  }
0x6f: {  	vm15 =	vgt.s32 v6, $0x0;
	vm0 =	vmor vm14, vm13  }
0x70: {  	vm0 =	vmand vm15, vm0  }
0x71: {  	v6 =	vsel vm0, $0x1, v0  }
0x72: {  	(xrf0) =	vadd.scan.msk.s32 $0xffff, v6;
	_ =	sdelay $0x5  }
0x73: {  	v7, _, _ =	vpop (xrf0)  }
0x74: {  	s0 =	simm.s32 $0x0;
	s17 =	spop (v2sf);
	v6 =	vsub.s32 v7, v6;
	(v2sf) =	vpush v7, $0xF  }
0x75: {  	v6 =	vadd.s32 s0, v6;
	_ =	sdelay $0x4  }
0x76: {  	[tilespmem:v6+s25+$0x0] =	vst.idx.msk vm0, v5  }
0x77: {  	[tilespmem:v6+s26+$0x0] =	vst.idx.msk vm0, v3  }
0x78: {  	s16 =	simm.s32 $0x10;
	[tilespmem:v6+s28+$0x0] =	vst.idx.msk vm0, v4  }
0x79: {  	v4 =	vld [tilespmem:s16+$0x600]  }
0x7a: {  	v3 =	vld [tilespmem:s16+$0x0]  }
0x7b: {  	s17 =	sadd.s32 s1, s17;
	s1 =	simm.s32 $0x80;
	v5 =	vld [tilespmem:s16+$0x300]  }
.LBB2_4:
0x7c: {  	_ =	sdelay $0x1  }
0x7d: {  	p0 =	sne.s32 s1, $0xBC0;
	s18 =	smov.u32 s1;
	s1 =	sadd.s32 $0x40, s1  }
0x7e: {  	v4 =	vmul.f32 v4, v3;
	s19 =	spop (v2sf)  }
0x7f: {  	v5 =	vmul.f32 v5, v3;
	s0 =	sadd.s32 s0, s19  }
0x80: {  	v6 =	vld [tilespmem:s16+$0x3900]  }
0x81: {  	v7 =	vadd.f32 v4, v5;
	_ =	sdelay $0x1  }
0x82: {  	v7 =	vadd.f32 v7, v3;
	_ =	sdelay $0x1  }
0x83: {  	vm0 =	vgt.s32 v6, $0x0;
	vm1 =	vlt.f32 v7, $0.0e+00;
	vm2 =	vgt.f32 v7, $0.0e+00  }
0x84: {  	vm1 =	vmor vm2, vm1  }
0x85: {  	vm0 =	vmand vm0, vm1  }
0x86: {  	v6 =	vsel vm0, $0x1, v0  }
0x87: {  	(xrf0) =	vadd.scan.msk.s32 $0xffff, v6;
	_ =	sdelay $0x5  }
0x88: {  	v7, _, _ =	vpop (xrf0)  }
0x89: {  	v6 =	vsub.s32 v7, v6;
	(v2sf) =	vpush v7, $0xF  }
0x8a: {  	v6 =	vadd.s32 s0, v6;
	_ =	sdelay $0x4  }
0x8b: {  	[tilespmem:v6+s25+$0x0] =	vst.idx.msk vm0, v5  }
.Ltmp3:
0x8c: {  	[tilespmem:v6+s26+$0x0] =	vst.idx.msk vm0, v4;
	(pc) =	sbr.rel @p0 .LBB2_4-.Ltmp3, $4  }
0x8d: {  	s16 =	sshra.s32 s18, $0x2;
	[tilespmem:v6+s28+$0x0] =	vst.idx.msk vm0, v3  }
0x8e: {  	v4 =	vld [tilespmem:s16+$0x600]  }
0x8f: {  	v3 =	vld [tilespmem:s16+$0x0]  }
0x90: {  	v5 =	vld [tilespmem:s16+$0x300]  }
0x91: {  	_ =	sdelay $0x3  }
0x92: {  	v4 =	vmul.f32 v4, v3;
	v5 =	vmul.f32 v5, v3;
	_ =	sdelay $0x1  }
0x93: {  	v6 =	vld [tilespmem:s16+$0x3900];
	v7 =	vadd.f32 v4, v5;
	_ =	sdelay $0x1  }
0x94: {  	v7 =	vadd.f32 v7, v3;
	_ =	sdelay $0x1  }
0x95: {  	vm0 =	vlt.f32 v7, $0.0e+00;
	vm1 =	vgt.f32 v7, $0.0e+00  }
0x96: {  	vm2 =	vgt.s32 v6, $0x0;
	vm0 =	vmor vm1, vm0  }
0x97: {  	vm0 =	vmand vm2, vm0  }
0x98: {  	v62 =	vsel vm0, $0x1, v0  }
0x99: {  	(xrf0) =	vadd.scan.msk.s32 $0xffff, v62;
	_ =	sdelay $0x5  }
0x9a: {  	v63, _, _ =	vpop (xrf0)  }
0x9b: {  	(v2sf) =	vpush v63, $0xF;
	_ =	sdelay $0xd  }
0x9c: {  	s1 =	spop (v2sf)  }
0x9d: {  	s5 =	sadd.s32 s0, s1;
	s20 =	spop (v2sf)  }
0x9e: {  	s19 =	sadd.s32 s5, s20  }
0x9f: {  	s0 =	sadd.s32 $0x7, s19  }
0xa0: {  	s21 =	sand.u32 $0x7, s0  }
0xa1: {  	s18 =	sshra.s32 s0, $0x1F;
	p0 =	slt.s32 s0, $0x1;
	p1 =	sne.s32 s21, $0x0  }
0xa2: {  	s29 =	sshrl.u32 s18, $0x1D;
	p0 =	por !p0, !p1  }
0xa3: {  	s1 =	simm.s32 $0x1;
	s0 =	sadd.s32 s29, s0;
	p0 =	por !p0, !p0  }
0xa4: {  	s0 =	sshra.s32 s0, $0x3;
	s1 =	simm.s32 @!p0 $0x0  }
0xa5: {  	s1 =	ssub.s32 s0, s1  }
0xa6: {  	s0 =	smul.u32 s3, s1;
	_ =	sdelay $0x1  }
0xa7: {  	s18 =	sadd.s32 s1, s0  }
0xa8: {  	p0 =	slt.s32 s19, s18  }
0xa9: {  	s18 =	smov.u32 @p0 s19  }
0xaa: {  	s16 =	ssub.s32 s18, s0  }
0xab: {  	v6 =	vsub.s32 v63, v62;
	p0 =	sgt.s32 s16, $0x0  }
0xac: {  	v6 =	vadd.s32 s5, v6;
	s16 =	simm.s32 @!p0 $0x0  }
0xad: {  	s16 =	sadd.s32 $0xF, s16  }
0xae: {  	s20 =	sand.u32 $0xF, s16  }
0xaf: {  	s30 =	sshra.s32 s16, $0x1F;
	p6 =	slt.s32 s16, $0x0;
	p5 =	sne.s32 s20, $0x0  }
0xb0: {  	s20 =	sshrl.u32 s30, $0x1C;
	p0 =	por !p6, !p5  }
0xb1: {  	[tilespmem:v6+s25+$0x0] =	vst.idx.msk vm0, v5;
	s16 =	sadd.s32 s20, s16;
	s20 =	simm.s32 $0x1;
	p0 =	por !p0, !p0  }
0xb2: {  	[tilespmem:v6+s26+$0x0] =	vst.idx.msk vm0, v4;
	s16 =	sshra.s32 s16, $0x4;
	s20 =	simm.s32 @!p0 $0x0  }
0xb3: {  	[tilespmem:v6+s28+$0x0] =	vst.idx.msk vm0, v3;
	s16 =	ssub.s32 s16, s20  }
0xb4: {  	[tilespmem:s19+$0x4900] =	vst v1;
	p0 =	slt.s32 s16, $0x1  }
.Ltmp4:
0xb5: {  	[tilespmem:s19+$0x4C80] =	vst v1;
	(pc) =	sbr.rel @p0 .LBB2_6-.Ltmp4, $4  }
0xb6: {  	[tilespmem:s19+$0x5000] =	vst v1  }
0xb7: {  	[tilespmem:s17+$0x5380] =	vst v1  }
0xb8: {  	[tilespmem:s17+$0x6400] =	vst v1  }
0xb9: {  	[tilespmem:s17+$0x7480] =	vst v1  }
0xba: {  	s17 =	sadd.s32 $0x7, s17  }
0xbb: {  	s19 =	sand.u32 $0x7, s17  }
0xbc: {  	s30 =	sshra.s32 s17, $0x1F;
	p1 =	slt.s32 s17, $0x1;
	p0 =	sne.s32 s19, $0x0  }
.Ltmp5:
0xbd: {  	s19 =	sshrl.u32 s30, $0x1D;
	p0 =	por !p1, !p0;
	(pc) =	sbr.rel .LBB2_8-.Ltmp5, $4  }
0xbe: {  	s17 =	sadd.s32 s19, s17;
	s19 =	simm.s32 $0x1;
	p0 =	por !p0, !p0  }
0xbf: {  	s17 =	sshra.s32 s17, $0x3;
	s19 =	simm.s32 @!p0 $0x0  }
0xc0: {  	s17 =	ssub.s32 s17, s19  }
0xc1: {  	v4 =	vmov s18;
	s18 =	simm.s32 $0x0;
	v3 =	vimm.f32 $0.0e+00;
	p0 =	slt.s32 s17, $0x1  }
.LBB2_11:
0xc2: {  	_ =	sdelay $0x2  }
0xc3: {  	v23 =	vsub.f32 v6, v23;
	v15 =	vsub.f32 v7, v15  }
0xc4: {  	v9 =	vld.idx.msk [tilespmem:v9+s22+$0x0], $0xffff;
	v28 =	vmul.f32 v28, v28;
	v25 =	vsub.f32 v5, v25;
	v26 =	vsub.f32 v5, v26  }
0xc5: {  	v30 =	vld.idx.msk [tilespmem:v24+s24+$0x0], $0xffff;
	v29 =	vmul.f32 v29, v29;
	v27 =	vsub.f32 v6, v27;
	v19 =	vsub.f32 v6, v19  }
0xc6: {  	v31 =	vld.idx.msk [tilespmem:v24+s23+$0x0], $0xffff;
	v18 =	vadd.f32 v22, v18;
	v23 =	vmul.f32 v23, v23;
	v25 =	vmul.f32 v25, v25  }
0xc7: {  	v60 =	vld.idx.msk [tilespmem:v24+s22+$0x0], $0xffff;
	v12 =	vadd.f32 v12, v21;
	v19 =	vmul.f32 v19, v19;
	v61 =	vmul.f32 v26, v26  }
0xc8: {  	v11 =	vadd.f32 v11, v18;
	v62 =	vmul.f32 v27, v27;
	v16 =	vadd.f32 v23, v16  }
0xc9: {  	v20 =	vmul.f32 v20, v20;
	v17 =	vadd.f32 v19, v17;
	v9 =	vsub.f32 v5, v9  }
0xca: {  	v8 =	vmin.f32 v8, v12;
	v12 =	vadd.f32 v29, v61;
	v63 =	vadd.f32 v62, v25  }
0xcb: {  	v7 =	vsub.f32 v7, v30;
	v6 =	vsub.f32 v6, v31;
	v9 =	vmul.f32 v9, v9  }
0xcc: {  	v14 =	vmul.f32 v14, v14;
	v5 =	vsub.f32 v5, v60;
	v17 =	vadd.f32 v20, v17  }
0xcd: {  	v15 =	vmul.f32 v15, v15;
	v16 =	vadd.f32 v28, v16;
	v9 =	vadd.f32 v13, v9  }
0xce: {  	v5 =	vmul.f32 v5, v5;
	v6 =	vmul.f32 v6, v6;
	v8 =	vmin.f32 v8, v17  }
0xcf: {  	v10 =	vadd.f32 v10, v12;
	v8 =	vmin.f32 v8, v11;
	v9 =	vadd.f32 v15, v9  }
0xd0: {  	v7 =	vmul.f32 v7, v7;
	v5 =	vadd.f32 v6, v5;
	v6 =	vmin.f32 v8, v16  }
0xd1: {  	v8 =	vadd.f32 v14, v63;
	v6 =	vmin.f32 v6, v9  }
0xd2: {  	v5 =	vadd.f32 v7, v5;
	v6 =	vmin.f32 v6, v10  }
0xd3: {  	v6 =	vmin.f32 v6, v8  }
0xd4: {  	v8 =	vmin.f32 v6, v5  }
.LBB2_12:
0xd5: {  	s18 =	sadd.s32 $0x1, s18  }
0xd6: {  	p1 =	sne.s32 s18, s16  }
.Ltmp6:
0xd7: {  	_ = 	snop;
	(pc) =	sbr.rel @!p1 .LBB2_13-.Ltmp6, $4  }
0xd8: {  	v5 =	vadd.s32 s19, v2  }
0xd9: {  	vm0 =	vlt.s32 v5, v4  }
0xda: {  	v5 =	vnsel vm0, $0x0, v8  }
0xdb: {  	v3 =	vadd.f32 v5, v3  }
.LBB2_8:
.Ltmp7:
0xdc: {  	(pc) =	sbr.rel @p0 .LBB2_12-.Ltmp7, $3  }
0xdd: {  	_ =	sdelay $0x1  }
0xde: {  	s19 =	sshll.u32 s18, $0x4  }
0xdf: {  	v8 =	vimm.f32 $1.000000000e+10;
	s19 =	sadd.s32 s0, s19  }
0xe0: {  	s20 =	simm.s32 $0x0  }
0xe1: {  	v5 =	vmov s20  }
0xe2: {  	v5 =	vand.u32 $0xFFFFFFF8, v5  }
0xe3: {  	s30 =	simm.s32 $0x3;
	v10 =	vbroadcast v5, $0x0  }
0xe4: {  	s21 =	simm.s32 $0x4;
	v7 =	vmov s30  }
0xe5: {  	s29 =	simm.s32 $0x2;
	s5 =	simm.s32 $0x1;
	v12 =	vmov s21;
	v9 =	vand.u32 $0xFFFFFFFB, v7  }
0xe6: {  	v6 =	vld [tilespmem:s19+$0x4C80];
	v13 =	vmov s5;
	v5 =	vmov s29;
	v14 =	vbroadcast v9, $0x0  }
0xe7: {  	v7 =	vld [tilespmem:s19+$0x5000];
	v9 =	vand.u32 $0xFFFFFFFC, v12;
	v12 =	vand.u32 $0xFFFFFFF9, v13;
	v5 =	vand.u32 $0xFFFFFFFA, v5  }
0xe8: {  	v19 =	vbroadcast v12, $0x0;
	v11 =	vbroadcast v5, $0x0;
	v5 =	vld [tilespmem:s19+$0x4900]  }
0xe9: {  	v16 =	vld.idx.msk [tilespmem:v10+s24+$0x0], $0xffff  }
0xea: {  	s21 =	simm.s32 $0x5;
	v9 =	vbroadcast v9, $0x0;
	v17 =	vld.idx.msk [tilespmem:v10+s22+$0x0], $0xffff  }
0xeb: {  	v13 =	vmov s21;
	s29 =	simm.s32 $0x6;
	v10 =	vld.idx.msk [tilespmem:v10+s23+$0x0], $0xffff  }
0xec: {  	v13 =	vand.u32 $0xFFFFFFFD, v13;
	v15 =	vmov s29;
	v20 =	vld.idx.msk [tilespmem:v14+s22+$0x0], $0xffff  }
0xed: {  	v13 =	vbroadcast v13, $0x0;
	v21 =	vand.u32 $0xFFFFFFFE, v15;
	v29 =	vld.idx.msk [tilespmem:v14+s24+$0x0], $0xffff  }
0xee: {  	v27 =	vbroadcast v21, $0x0;
	v21 =	vld.idx.msk [tilespmem:v19+s24+$0x0], $0xffff  }
0xef: {  	v24 =	vld.idx.msk [tilespmem:v19+s22+$0x0], $0xffff  }
0xf0: {  	v25 =	vld.idx.msk [tilespmem:v9+s23+$0x0], $0xffff  }
0xf1: {  	v12 =	vld.idx.msk [tilespmem:v11+s22+$0x0], $0xffff  }
0xf2: {  	v18 =	vld.idx.msk [tilespmem:v11+s24+$0x0], $0xffff  }
0xf3: {  	v22 =	vld.idx.msk [tilespmem:v13+s24+$0x0], $0xffff;
	v16 =	vsub.f32 v7, v16  }
0xf4: {  	v28 =	vld.idx.msk [tilespmem:v11+s23+$0x0], $0xffff;
	v10 =	vsub.f32 v6, v10;
	v26 =	vsub.f32 v5, v20  }
0xf5: {  	s30 =	simm.s32 $0x7;
	v23 =	vld.idx.msk [tilespmem:v14+s23+$0x0], $0xffff;
	v11 =	vsub.f32 v5, v17;
	v33 =	vsub.f32 v5, v24  }
0xf6: {  	v32 =	vld.idx.msk [tilespmem:v13+s23+$0x0], $0xffff;
	v34 =	vsub.f32 v6, v25;
	v20 =	vsub.f32 v7, v21;
	v24 =	vmov s30  }
0xf7: {  	p1 =	sne.s32 s17, $0x1;
	v31 =	vld.idx.msk [tilespmem:v27+s24+$0x0], $0xffff;
	v17 =	vsub.f32 v5, v12;
	v12 =	vmul.f32 v16, v16;
	v30 =	vmul.f32 v10, v10  }
.Ltmp8:
0xf8: {  	v15 =	vld.idx.msk [tilespmem:v9+s24+$0x0], $0xffff;
	v10 =	vsub.f32 v7, v18;
	v22 =	vsub.f32 v7, v22;
	v16 =	vmul.f32 v26, v26;
	(pc) =	sbr.rel @!p1 .LBB2_11-.Ltmp8, $4  }
0xf9: {  	v14 =	vsub.f32 v6, v28;
	v26 =	vld.idx.msk [tilespmem:v13+s22+$0x0], $0xffff;
	v13 =	vmul.f32 v34, v34;
	v18 =	vmul.f32 v17, v17  }
0xfa: {  	v25 =	vld.idx.msk [tilespmem:v27+s22+$0x0], $0xffff;
	v28 =	vsub.f32 v7, v29;
	v17 =	vmul.f32 v11, v11;
	v11 =	vmul.f32 v10, v10  }
0xfb: {  	v19 =	vld.idx.msk [tilespmem:v19+s23+$0x0], $0xffff;
	v29 =	vsub.f32 v6, v32;
	v10 =	vmul.f32 v22, v22;
	v22 =	vmul.f32 v14, v14  }
0xfc: {  	s20 =	sadd.s32 $0xFFFFFFFF, s17;
	s21 =	simm.s32 $0xF;
	v27 =	vld.idx.msk [tilespmem:v27+s23+$0x0], $0xffff;
	v14 =	vsub.f32 v7, v31;
	v21 =	vadd.f32 v30, v17;
	v17 =	vmul.f32 v33, v33  }
.LBB2_10:
0xfd: {  	s29 =	sadd.s32 $0xFFFFFFF9, s21;
	s30 =	sadd.s32 $0xFFFFFFFA, s21;
	s5 =	sadd.s32 $0xFFFFFFFB, s21;
	v23 =	vsub.f32 v6, v23;
	v28 =	vmul.f32 v28, v28;
	v15 =	vsub.f32 v7, v15  }
0xfe: {  	p1 =	sne.s32 s20, $0x1;
	v29 =	vmul.f32 v29, v29;
	v30 =	vmov s29;
	v31 =	vmov s30;
	s29 =	sadd.s32 $0xFFFFFFFC, s21;
	s30 =	sadd.s32 $0xFFFFFFFD, s21;
	v32 =	vld.idx.msk [tilespmem:v9+s22+$0x0], $0xffff  }
0xff: {  	s20 =	sadd.s32 $0xFFFFFFFF, s20;
	v25 =	vsub.f32 v5, v25;
	v9 =	vand.u32 $0xFFFFFFF8, v30;
	v30 =	vand.u32 $0xFFFFFFF9, v31;
	v31 =	vld.idx.msk [tilespmem:v24+s24+$0x0], $0xffff  }
0x100: {  	v26 =	vsub.f32 v5, v26;
	v23 =	vmul.f32 v23, v23;
	v33 =	vbroadcast v9, $0x0;
	v34 =	vld.idx.msk [tilespmem:v24+s23+$0x0], $0xffff  }
0x101: {  	v35 =	vmov s29;
	v25 =	vmul.f32 v25, v25;
	v9 =	vmov s5;
	v24 =	vld.idx.msk [tilespmem:v24+s22+$0x0], $0xffff  }
0x102: {  	v27 =	vsub.f32 v6, v27;
	v35 =	vand.u32 $0xFFFFFFFB, v35;
	v9 =	vand.u32 $0xFFFFFFFA, v9  }
0x103: {  	v19 =	vsub.f32 v6, v19;
	v18 =	vadd.f32 v22, v18;
	v36 =	vbroadcast v9, $0x0  }
0x104: {  	v20 =	vmul.f32 v20, v20;
	s5 =	sadd.s32 $0xFFFFFFFE, s21;
	v22 =	vbroadcast v35, $0x0;
	v9 =	vmov s30  }
0x105: {  	v35 =	vmov s5;
	v9 =	vand.u32 $0xFFFFFFFC, v9;
	v31 =	vsub.f32 v7, v31  }
0x106: {  	v35 =	vand.u32 $0xFFFFFFFD, v35;
	v9 =	vbroadcast v9, $0x0;
	v34 =	vsub.f32 v6, v34;
	v37 =	vld.idx.msk [tilespmem:v33+s24+$0x0], $0xffff  }
0x107: {  	v12 =	vadd.f32 v12, v21;
	s5 =	sadd.s32 $0xFFFFFFFF, s21;
	v35 =	vbroadcast v35, $0x0;
	v21 =	vsub.f32 v5, v32  }
0x108: {  	v30 =	vbroadcast v30, $0x0;
	v38 =	vmov s5;
	v24 =	vsub.f32 v5, v24;
	v32 =	vld.idx.msk [tilespmem:v33+s22+$0x0], $0xffff  }
0x109: {  	v19 =	vmul.f32 v19, v19;
	v16 =	vadd.f32 v23, v16;
	v38 =	vand.u32 $0xFFFFFFFE, v38;
	v39 =	vld.idx.msk [tilespmem:v36+s22+$0x0], $0xffff  }
0x10a: {  	v8 =	vmin.f32 v8, v12;
	v12 =	vmul.f32 v26, v26;
	v23 =	vld.idx.msk [tilespmem:v33+s23+$0x0], $0xffff;
	v33 =	vbroadcast v38, $0x0  }
0x10b: {  	v16 =	vadd.f32 v28, v16;
	v28 =	vmul.f32 v15, v15;
	v24 =	vmul.f32 v24, v24;
	v26 =	vld.idx.msk [tilespmem:v36+s24+$0x0], $0xffff  }
0x10c: {  	v11 =	vadd.f32 v11, v18;
	v18 =	vmul.f32 v27, v27;
	v17 =	vadd.f32 v19, v17;
	v38 =	vld.idx.msk [tilespmem:v22+s22+$0x0], $0xffff  }
0x10d: {  	v14 =	vmul.f32 v14, v14;
	v12 =	vadd.f32 v29, v12;
	v19 =	vmul.f32 v21, v21;
	v15 =	vld.idx.msk [tilespmem:v9+s24+$0x0], $0xffff  }
0x10e: {  	v17 =	vadd.f32 v20, v17;
	v20 =	vmul.f32 v34, v34;
	v21 =	vsub.f32 v7, v37;
	v27 =	vld.idx.msk [tilespmem:v30+s24+$0x0], $0xffff  }
0x10f: {  	v10 =	vadd.f32 v10, v12;
	v12 =	vmul.f32 v31, v31;
	v13 =	vadd.f32 v13, v19;
	v29 =	vld.idx.msk [tilespmem:v35+s24+$0x0], $0xffff  }
0x110: {  	v8 =	vmin.f32 v8, v17;
	v17 =	vadd.f32 v18, v25;
	v18 =	vadd.f32 v20, v24;
	v31 =	vld.idx.msk [tilespmem:v22+s24+$0x0], $0xffff  }
0x111: {  	v8 =	vmin.f32 v8, v11;
	v11 =	vadd.f32 v28, v13;
	v19 =	vsub.f32 v6, v23;
	v20 =	vld.idx.msk [tilespmem:v30+s22+$0x0], $0xffff  }
0x112: {  	v8 =	vmin.f32 v8, v16;
	v16 =	vadd.f32 v12, v18;
	v13 =	vsub.f32 v5, v38;
	v24 =	vld.idx.msk [tilespmem:v9+s23+$0x0], $0xffff  }
0x113: {  	v8 =	vmin.f32 v8, v11;
	v25 =	vsub.f32 v5, v32;
	v12 =	vmul.f32 v21, v21;
	v21 =	vld.idx.msk [tilespmem:v36+s23+$0x0], $0xffff  }
0x114: {  	v8 =	vmin.f32 v8, v10;
	v11 =	vsub.f32 v5, v39;
	v32 =	vmul.f32 v19, v19;
	v34 =	vld.idx.msk [tilespmem:v33+s24+$0x0], $0xffff  }
0x115: {  	v14 =	vadd.f32 v14, v17;
	v10 =	vsub.f32 v7, v29;
	v23 =	vld.idx.msk [tilespmem:v22+s23+$0x0], $0xffff  }
0x116: {  	v17 =	vsub.f32 v7, v26;
	v18 =	vmul.f32 v11, v11;
	v29 =	vld.idx.msk [tilespmem:v35+s23+$0x0], $0xffff  }
0x117: {  	v8 =	vmin.f32 v8, v14;
	v22 =	vmul.f32 v25, v25;
	v19 =	vld.idx.msk [tilespmem:v30+s23+$0x0], $0xffff;
	v30 =	vsub.f32 v5, v20  }
.Ltmp9:
0x118: {  	v8 =	vmin.f32 v8, v16;
	v11 =	vmul.f32 v17, v17;
	v36 =	vsub.f32 v6, v24;
	(pc) =	sbr.rel @p1 .LBB2_10-.Ltmp9, $4  }
0x119: {  	v16 =	vmul.f32 v13, v13;
	v20 =	vsub.f32 v7, v27;
	v14 =	vsub.f32 v6, v21;
	v25 =	vld.idx.msk [tilespmem:v33+s22+$0x0], $0xffff  }
0x11a: {  	v28 =	vsub.f32 v7, v31;
	v10 =	vmul.f32 v10, v10;
	v24 =	vmov s21;
	v26 =	vld.idx.msk [tilespmem:v35+s22+$0x0], $0xffff  }
0x11b: {  	v21 =	vadd.f32 v32, v22;
	v22 =	vmul.f32 v14, v14;
	v14 =	vsub.f32 v7, v34  }
0x11c: {  	s21 =	sadd.s32 $0x8, s21;
	v17 =	vmul.f32 v30, v30;
	v13 =	vmul.f32 v36, v36;
	v29 =	vsub.f32 v6, v29;
	v27 =	vld.idx.msk [tilespmem:v33+s23+$0x0], $0xffff  }
.Ltmp10:
0x11d: {  	_ = 	snop;
	(pc) =	sbr.rel .LBB2_11-.Ltmp10, $1  }
0x11e: {  	_ =	sdelay $0x3  }
.LBB2_6:
0x11f: {  	v3 =	vimm.f32 $0.0e+00  }
.LBB2_13:
0x120: {  	_ = 	snop  }
.Ltmp11:
0x121: {  	s0 =	simm.s32 $0x0;
	s5 =	simm.s32 $0x8500;
	[tilespmem:$0x8500] =	vst v3;
	(pc) =	sbr.rel .LBB2_14-.Ltmp11, $4  }
0x122: {  	[hbm4b:s12+s0] =	stream.linear.scatter [tilespmem:s5], [sflag:$0x1], $0x10, $0x38;
	[tilespmem:$0x8780] =	vst v63  }
0x123: {  	_ =	swait.ge [sflag:s15], $0x10  }
0x124: {  	[sflag:s15] =	ssyncset.done $0x0  }
0x125: {  	p0 =	slt.s32 s1, $0x1;
	[sflag:s15] =	ssyncadd.s32 $0xFFFFFFF0  }
.LBB2_17:
0x126: {  	_ =	sdelay $0x2  }
0x127: {  	v21 =	vsub.f32 v4, v21;
	v13 =	vsub.f32 v5, v13  }
0x128: {  	v7 =	vld.idx.msk [tilespmem:v7+s25+$0x0], $0xffff;
	v26 =	vmul.f32 v26, v26;
	v23 =	vsub.f32 v3, v23;
	v24 =	vsub.f32 v3, v24  }
0x129: {  	v28 =	vld.idx.msk [tilespmem:v22+s28+$0x0], $0xffff;
	v27 =	vmul.f32 v27, v27;
	v25 =	vsub.f32 v4, v25;
	v17 =	vsub.f32 v4, v17  }
0x12a: {  	v29 =	vld.idx.msk [tilespmem:v22+s26+$0x0], $0xffff;
	v16 =	vadd.f32 v20, v16;
	v21 =	vmul.f32 v21, v21;
	v23 =	vmul.f32 v23, v23  }
0x12b: {  	v60 =	vld.idx.msk [tilespmem:v22+s25+$0x0], $0xffff;
	v10 =	vadd.f32 v10, v19;
	v17 =	vmul.f32 v17, v17;
	v61 =	vmul.f32 v24, v24  }
0x12c: {  	v9 =	vadd.f32 v9, v16;
	v62 =	vmul.f32 v25, v25;
	v14 =	vadd.f32 v21, v14  }
0x12d: {  	v18 =	vmul.f32 v18, v18;
	v15 =	vadd.f32 v17, v15;
	v7 =	vsub.f32 v3, v7  }
0x12e: {  	v6 =	vmin.f32 v6, v10;
	v10 =	vadd.f32 v27, v61;
	v63 =	vadd.f32 v62, v23  }
0x12f: {  	v5 =	vsub.f32 v5, v28;
	v4 =	vsub.f32 v4, v29;
	v7 =	vmul.f32 v7, v7  }
0x130: {  	v12 =	vmul.f32 v12, v12;
	v3 =	vsub.f32 v3, v60;
	v15 =	vadd.f32 v18, v15  }
0x131: {  	v13 =	vmul.f32 v13, v13;
	v14 =	vadd.f32 v26, v14;
	v7 =	vadd.f32 v11, v7  }
0x132: {  	v3 =	vmul.f32 v3, v3;
	v4 =	vmul.f32 v4, v4;
	v6 =	vmin.f32 v6, v15  }
0x133: {  	v8 =	vadd.f32 v8, v10;
	v6 =	vmin.f32 v6, v9;
	v7 =	vadd.f32 v13, v7  }
0x134: {  	v5 =	vmul.f32 v5, v5;
	v3 =	vadd.f32 v4, v3;
	v4 =	vmin.f32 v6, v14  }
0x135: {  	v6 =	vadd.f32 v12, v63;
	v4 =	vmin.f32 v4, v7  }
0x136: {  	v3 =	vadd.f32 v5, v3;
	v4 =	vmin.f32 v4, v8  }
0x137: {  	v4 =	vmin.f32 v4, v6  }
0x138: {  	v6 =	vmin.f32 v4, v3  }
.LBB2_18:
0x139: {  	s0 =	sadd.s32 $0x1, s0  }
0x13a: {  	p1 =	sne.s32 s0, $0x20  }
.Ltmp12:
0x13b: {  	_ = 	snop;
	(pc) =	sbr.rel @!p1 .LBB2_19-.Ltmp12, $2  }
0x13c: {  	_ =	sdelay $0x2  }
0x13d: {  	[tilespmem:s16+$0x8580] =	vst v6  }
.LBB2_14:
.Ltmp13:
0x13e: {  	(pc) =	sbr.rel @p0 .LBB2_18-.Ltmp13, $2  }
0x13f: {  	_ =	sdelay $0x2  }
0x140: {  	s16 =	sshll.u32 s0, $0x4;
	v6 =	vimm.f32 $1.000000000e+10  }
0x141: {  	s5 =	simm.s32 $0x0  }
0x142: {  	v3 =	vmov s5  }
0x143: {  	v3 =	vand.u32 $0xFFFFFFF8, v3  }
0x144: {  	s17 =	simm.s32 $0x3;
	v8 =	vbroadcast v3, $0x0  }
0x145: {  	v5 =	vmov s17  }
0x146: {  	s18 =	simm.s32 $0x2;
	s19 =	sor.u32 s4, s16;
	v7 =	vand.u32 $0xFFFFFFFB, v5  }
0x147: {  	v4 =	vld [tilespmem:s19+$0x1900];
	v3 =	vmov s18;
	v12 =	vbroadcast v7, $0x0  }
0x148: {  	v5 =	vld [tilespmem:s19+$0x2900];
	v3 =	vand.u32 $0xFFFFFFFA, v3  }
0x149: {  	s20 =	simm.s32 $0x1;
	s18 =	simm.s32 $0x4;
	v9 =	vbroadcast v3, $0x0;
	v3 =	vld [tilespmem:s19+$0x900]  }
0x14a: {  	v11 =	vmov s20;
	v10 =	vmov s18;
	v14 =	vld.idx.msk [tilespmem:v8+s28+$0x0], $0xffff  }
0x14b: {  	v7 =	vand.u32 $0xFFFFFFFC, v10;
	v10 =	vand.u32 $0xFFFFFFF9, v11;
	v15 =	vld.idx.msk [tilespmem:v8+s25+$0x0], $0xffff  }
0x14c: {  	s21 =	simm.s32 $0x5;
	v17 =	vbroadcast v10, $0x0;
	v8 =	vld.idx.msk [tilespmem:v8+s26+$0x0], $0xffff  }
0x14d: {  	v11 =	vmov s21;
	v18 =	vld.idx.msk [tilespmem:v12+s25+$0x0], $0xffff  }
0x14e: {  	v7 =	vbroadcast v7, $0x0;
	v11 =	vand.u32 $0xFFFFFFFD, v11;
	v27 =	vld.idx.msk [tilespmem:v12+s28+$0x0], $0xffff  }
0x14f: {  	s29 =	simm.s32 $0x6;
	v11 =	vbroadcast v11, $0x0;
	v10 =	vld.idx.msk [tilespmem:v9+s25+$0x0], $0xffff  }
0x150: {  	v13 =	vmov s29;
	v16 =	vld.idx.msk [tilespmem:v9+s28+$0x0], $0xffff  }
0x151: {  	v19 =	vand.u32 $0xFFFFFFFE, v13;
	v26 =	vld.idx.msk [tilespmem:v9+s26+$0x0], $0xffff  }
0x152: {  	v25 =	vbroadcast v19, $0x0;
	v19 =	vld.idx.msk [tilespmem:v17+s28+$0x0], $0xffff  }
0x153: {  	v22 =	vld.idx.msk [tilespmem:v17+s25+$0x0], $0xffff  }
0x154: {  	v23 =	vld.idx.msk [tilespmem:v7+s26+$0x0], $0xffff;
	v14 =	vsub.f32 v5, v14  }
0x155: {  	v20 =	vld.idx.msk [tilespmem:v11+s28+$0x0], $0xffff;
	v8 =	vsub.f32 v4, v8;
	v24 =	vsub.f32 v3, v18  }
0x156: {  	v30 =	vld.idx.msk [tilespmem:v11+s26+$0x0], $0xffff;
	v9 =	vsub.f32 v3, v15;
	v15 =	vsub.f32 v3, v10  }
0x157: {  	v21 =	vld.idx.msk [tilespmem:v12+s26+$0x0], $0xffff;
	v28 =	vmul.f32 v8, v8;
	v8 =	vsub.f32 v5, v16;
	v12 =	vsub.f32 v4, v26  }
0x158: {  	p1 =	sne.s32 s1, $0x1;
	v29 =	vld.idx.msk [tilespmem:v25+s28+$0x0], $0xffff;
	v10 =	vmul.f32 v14, v14;
	v26 =	vsub.f32 v5, v27;
	v31 =	vsub.f32 v3, v22  }
.Ltmp14:
0x159: {  	v13 =	vld.idx.msk [tilespmem:v7+s28+$0x0], $0xffff;
	v14 =	vmul.f32 v24, v24;
	v32 =	vsub.f32 v4, v23;
	v18 =	vsub.f32 v5, v19;
	(pc) =	sbr.rel @!p1 .LBB2_17-.Ltmp14, $4  }
0x15a: {  	s30 =	simm.s32 $0x7;
	v17 =	vld.idx.msk [tilespmem:v17+s26+$0x0], $0xffff;
	v20 =	vsub.f32 v5, v20;
	v16 =	vmul.f32 v15, v15;
	v15 =	vmul.f32 v9, v9  }
0x15b: {  	v23 =	vld.idx.msk [tilespmem:v25+s25+$0x0], $0xffff;
	v22 =	vmov s30;
	v9 =	vmul.f32 v8, v8;
	v27 =	vsub.f32 v4, v30  }
0x15c: {  	v24 =	vld.idx.msk [tilespmem:v11+s25+$0x0], $0xffff;
	v11 =	vmul.f32 v32, v32;
	v8 =	vmul.f32 v20, v20;
	v19 =	vadd.f32 v28, v15  }
0x15d: {  	s17 =	sadd.s32 $0xFFFFFFFF, s1;
	s18 =	simm.s32 $0xF;
	v25 =	vld.idx.msk [tilespmem:v25+s26+$0x0], $0xffff;
	v20 =	vmul.f32 v12, v12;
	v12 =	vsub.f32 v5, v29;
	v15 =	vmul.f32 v31, v31  }
.LBB2_16:
0x15e: {  	s5 =	sadd.s32 $0xFFFFFFF9, s18;
	s19 =	sadd.s32 $0xFFFFFFFA, s18;
	s20 =	sadd.s32 $0xFFFFFFFB, s18;
	v21 =	vsub.f32 v4, v21;
	v26 =	vmul.f32 v26, v26;
	v13 =	vsub.f32 v5, v13  }
0x15f: {  	p1 =	sne.s32 s17, $0x1;
	v27 =	vmul.f32 v27, v27;
	v28 =	vmov s5;
	v29 =	vmov s19;
	s5 =	sadd.s32 $0xFFFFFFFC, s18;
	s19 =	sadd.s32 $0xFFFFFFFD, s18;
	v30 =	vld.idx.msk [tilespmem:v7+s25+$0x0], $0xffff  }
0x160: {  	s17 =	sadd.s32 $0xFFFFFFFF, s17;
	v23 =	vsub.f32 v3, v23;
	v7 =	vand.u32 $0xFFFFFFF8, v28;
	v28 =	vand.u32 $0xFFFFFFF9, v29;
	v29 =	vld.idx.msk [tilespmem:v22+s28+$0x0], $0xffff  }
0x161: {  	v24 =	vsub.f32 v3, v24;
	v21 =	vmul.f32 v21, v21;
	v31 =	vbroadcast v7, $0x0;
	v32 =	vld.idx.msk [tilespmem:v22+s26+$0x0], $0xffff  }
0x162: {  	v33 =	vmov s5;
	v23 =	vmul.f32 v23, v23;
	v7 =	vmov s20;
	v22 =	vld.idx.msk [tilespmem:v22+s25+$0x0], $0xffff  }
0x163: {  	v25 =	vsub.f32 v4, v25;
	v33 =	vand.u32 $0xFFFFFFFB, v33;
	v7 =	vand.u32 $0xFFFFFFFA, v7  }
0x164: {  	v17 =	vsub.f32 v4, v17;
	v16 =	vadd.f32 v20, v16;
	v34 =	vbroadcast v7, $0x0  }
0x165: {  	v18 =	vmul.f32 v18, v18;
	s5 =	sadd.s32 $0xFFFFFFFE, s18;
	v20 =	vbroadcast v33, $0x0;
	v7 =	vmov s19  }
0x166: {  	v33 =	vmov s5;
	v7 =	vand.u32 $0xFFFFFFFC, v7;
	v29 =	vsub.f32 v5, v29  }
0x167: {  	v33 =	vand.u32 $0xFFFFFFFD, v33;
	v7 =	vbroadcast v7, $0x0;
	v32 =	vsub.f32 v4, v32;
	v35 =	vld.idx.msk [tilespmem:v31+s28+$0x0], $0xffff  }
0x168: {  	v10 =	vadd.f32 v10, v19;
	s5 =	sadd.s32 $0xFFFFFFFF, s18;
	v33 =	vbroadcast v33, $0x0;
	v19 =	vsub.f32 v3, v30  }
0x169: {  	v28 =	vbroadcast v28, $0x0;
	v36 =	vmov s5;
	v22 =	vsub.f32 v3, v22;
	v30 =	vld.idx.msk [tilespmem:v31+s25+$0x0], $0xffff  }
0x16a: {  	v17 =	vmul.f32 v17, v17;
	v14 =	vadd.f32 v21, v14;
	v36 =	vand.u32 $0xFFFFFFFE, v36;
	v37 =	vld.idx.msk [tilespmem:v34+s25+$0x0], $0xffff  }
0x16b: {  	v6 =	vmin.f32 v6, v10;
	v10 =	vmul.f32 v24, v24;
	v21 =	vld.idx.msk [tilespmem:v31+s26+$0x0], $0xffff;
	v31 =	vbroadcast v36, $0x0  }
0x16c: {  	v14 =	vadd.f32 v26, v14;
	v26 =	vmul.f32 v13, v13;
	v22 =	vmul.f32 v22, v22;
	v24 =	vld.idx.msk [tilespmem:v34+s28+$0x0], $0xffff  }
0x16d: {  	v9 =	vadd.f32 v9, v16;
	v16 =	vmul.f32 v25, v25;
	v15 =	vadd.f32 v17, v15;
	v36 =	vld.idx.msk [tilespmem:v20+s25+$0x0], $0xffff  }
0x16e: {  	v12 =	vmul.f32 v12, v12;
	v10 =	vadd.f32 v27, v10;
	v17 =	vmul.f32 v19, v19;
	v13 =	vld.idx.msk [tilespmem:v7+s28+$0x0], $0xffff  }
0x16f: {  	v15 =	vadd.f32 v18, v15;
	v18 =	vmul.f32 v32, v32;
	v19 =	vsub.f32 v5, v35;
	v25 =	vld.idx.msk [tilespmem:v28+s28+$0x0], $0xffff  }
0x170: {  	v8 =	vadd.f32 v8, v10;
	v10 =	vmul.f32 v29, v29;
	v11 =	vadd.f32 v11, v17;
	v27 =	vld.idx.msk [tilespmem:v33+s28+$0x0], $0xffff  }
0x171: {  	v6 =	vmin.f32 v6, v15;
	v15 =	vadd.f32 v16, v23;
	v16 =	vadd.f32 v18, v22;
	v29 =	vld.idx.msk [tilespmem:v20+s28+$0x0], $0xffff  }
0x172: {  	v6 =	vmin.f32 v6, v9;
	v9 =	vadd.f32 v26, v11;
	v17 =	vsub.f32 v4, v21;
	v18 =	vld.idx.msk [tilespmem:v28+s25+$0x0], $0xffff  }
0x173: {  	v6 =	vmin.f32 v6, v14;
	v14 =	vadd.f32 v10, v16;
	v11 =	vsub.f32 v3, v36;
	v22 =	vld.idx.msk [tilespmem:v7+s26+$0x0], $0xffff  }
0x174: {  	v6 =	vmin.f32 v6, v9;
	v23 =	vsub.f32 v3, v30;
	v10 =	vmul.f32 v19, v19;
	v19 =	vld.idx.msk [tilespmem:v34+s26+$0x0], $0xffff  }
0x175: {  	v6 =	vmin.f32 v6, v8;
	v9 =	vsub.f32 v3, v37;
	v30 =	vmul.f32 v17, v17;
	v32 =	vld.idx.msk [tilespmem:v31+s28+$0x0], $0xffff  }
0x176: {  	v12 =	vadd.f32 v12, v15;
	v8 =	vsub.f32 v5, v27;
	v21 =	vld.idx.msk [tilespmem:v20+s26+$0x0], $0xffff  }
0x177: {  	v15 =	vsub.f32 v5, v24;
	v16 =	vmul.f32 v9, v9;
	v27 =	vld.idx.msk [tilespmem:v33+s26+$0x0], $0xffff  }
0x178: {  	v6 =	vmin.f32 v6, v12;
	v20 =	vmul.f32 v23, v23;
	v17 =	vld.idx.msk [tilespmem:v28+s26+$0x0], $0xffff;
	v28 =	vsub.f32 v3, v18  }
.Ltmp15:
0x179: {  	v6 =	vmin.f32 v6, v14;
	v9 =	vmul.f32 v15, v15;
	v34 =	vsub.f32 v4, v22;
	(pc) =	sbr.rel @p1 .LBB2_16-.Ltmp15, $4  }
0x17a: {  	v14 =	vmul.f32 v11, v11;
	v18 =	vsub.f32 v5, v25;
	v12 =	vsub.f32 v4, v19;
	v23 =	vld.idx.msk [tilespmem:v31+s25+$0x0], $0xffff  }
0x17b: {  	v26 =	vsub.f32 v5, v29;
	v8 =	vmul.f32 v8, v8;
	v22 =	vmov s18;
	v24 =	vld.idx.msk [tilespmem:v33+s25+$0x0], $0xffff  }
0x17c: {  	v19 =	vadd.f32 v30, v20;
	v20 =	vmul.f32 v12, v12;
	v12 =	vsub.f32 v5, v32  }
0x17d: {  	s18 =	sadd.s32 $0x8, s18;
	v15 =	vmul.f32 v28, v28;
	v11 =	vmul.f32 v34, v34;
	v27 =	vsub.f32 v4, v27;
	v25 =	vld.idx.msk [tilespmem:v31+s26+$0x0], $0xffff  }
.Ltmp16:
0x17e: {  	_ = 	snop;
	(pc) =	sbr.rel .LBB2_17-.Ltmp16, $1  }
0x17f: {  	_ =	sdelay $0x3  }
.LBB2_20:
0x180: {  	_ =	sfence.sel $0x180000  }
0x181: {  	[bflag:$0x0] =	sbarrier.arrive $0xFFFF  }
0x182: {  	_ =	strace $0x90000047  }
0x183: {  	s0 =	stileid.u32;
	[bflag:$0x2] =	sbarrier.arrive $0xFFFF  }
0x184: {  	p0 =	sne.s32 s0, $0x0;
	s0 =	rddreg [dreg:$0x1]  }
0x185: {  	s0 =	sadd.s32 @!p0 $0x100000, s0  }
0x186: {  	[sflag:s0] =	ssyncadd.tile.s32 @!p0 $0x1;
	_ =	shalt  }
.Lfunc_end2:
_tile_overlayer_lowered:
.L_overlay_start_2:
0x187: {  	(tag) =	ssettag $0x2  }
0x188: {  	s0 =	rddreg [dreg:$0x0];
	s2 =	stileid.u32  }
0x189: {  	s1 =	rddreg [dreg:$0x1];
	p0 =	sne.s32 s2, $0x0  }
0x18a: {  	s3 =	rddreg [dreg:$0x2];
	[bflag:$0x3] =	sbarrier.arrive $0xFFFF;
	s2 =	simm.s32 @!p0 $0x1C01  }
0x18b: {  	[timem:s3], [sflag:s2] =	dma.local @!p0 [hbm:s0], s1  }
0x18c: {  	s0 =	simm.s32 @!p0 $0x1  }
0x18d: {  	_ =	swait.ge @!p0 [sflag:s0], s1  }
0x18e: {  	s1 =	ssub.s32 @!p0 $0x0, s1;
	[sflag:s0] =	ssyncset.done @!p0 $0x0  }
0x18f: {  	[sflag:s0] =	ssyncadd.s32 @!p0 s1  }
0x190: {  	[bflag:$0x3] =	sbarrier.arrive $0xFFFF  }
0x191: {  	_ =	shalt  }

</sc_bundles>
